<compile_context>
chip_gen: v7x
topology: tpu7x:2x2x1
jax: 0.10.2.dev20260603
libtpu: 0.0.44.dev20260713+nightly
codegen_flags: <defaults>
</compile_context>

<pallas_src>
import functools

import jax
import jax.numpy as jnp
from jax import lax
from jax.experimental import pallas as pl
from jax.experimental.pallas import tpu as pltpu
from jax.experimental.pallas import tpu_sc as plsc

_N = 10000
_E = 320000
_D = 128
_CHUNK = 128
_NP = 10240
_NC = 2
_NS = 16

_f32 = jnp.float32

_EPAD = 2560 * _CHUNK
_CPT = (_EPAD // _CHUNK) // (_NC * _NS)
_HALF = _CPT // 2


def _sc_partials(feat_src, src2d, dst2d):
  mesh = plsc.VectorSubcoreMesh(core_axis_name="c", subcore_axis_name="s")
  rows_per_tile = _NP // _NS

  @functools.partial(
      pl.kernel,
      mesh=mesh,
      out_type=(
          jax.ShapeDtypeStruct((_NC, _NP, _D), _f32),
          jax.ShapeDtypeStruct((_NC, _NP), _f32),
      ),
      scratch_types=[
          pltpu.VMEM((_CHUNK, _D), _f32),
          pltpu.VMEM((_CHUNK, _D), _f32),
          pltpu.VMEM((_HALF, _CHUNK), jnp.int32),
          pltpu.VMEM((_HALF, _CHUNK), jnp.int32),
          pltpu.VMEM((_CHUNK,), _f32),
          pltpu.VMEM((rows_per_tile,), _f32),
          pltpu.VMEM_SHARED((_NP, _D), _f32),
          pltpu.VMEM_SHARED((_NP,), _f32),
          pltpu.SemaphoreType.DMA,
          pltpu.SemaphoreType.DMA,
      ],
  )
  def body(feat_hbm, src_hbm, dst_hbm, zeros_hbm, psum_out, pdeg_out,
           rbuf0, rbuf1, sbuf, dbuf, ones, zdeg, acc, deg, gsem0, gsem1):
    c = lax.axis_index("c")
    s = lax.axis_index("s")
    t = c * _NS + s

    for i in range(_CHUNK // 16):
      ones[pl.ds(16 * i, 16)] = jnp.full((16,), 1.0, _f32)
    for i in range(rows_per_tile // 16):
      zdeg[pl.ds(16 * i, 16)] = jnp.zeros((16,), _f32)

    base = s * rows_per_tile
    pltpu.sync_copy(zeros_hbm.at[pl.ds(base, rows_per_tile), :],
                    acc.at[pl.ds(base, rows_per_tile), :])
    pltpu.sync_copy(zdeg, deg.at[pl.ds(base, rows_per_tile)])
    plsc.subcore_barrier()

    rbufs = (rbuf0, rbuf1)
    gsems = (gsem0, gsem1)
    c0 = t * _CPT

    for h in range(2):
      pltpu.sync_copy(src_hbm.at[pl.ds(c0 + h * _HALF, _HALF)], sbuf)
      pltpu.sync_copy(dst_hbm.at[pl.ds(c0 + h * _HALF, _HALF)], dbuf)

      for b in range(2):
        pltpu.async_copy(feat_hbm.at[sbuf.at[b]], rbufs[b], gsems[b])

      def pair(p, carry):
        for b in range(2):
          j = 2 * p + b
          rb, gs = rbufs[b], gsems[b]
          pltpu.make_async_copy(feat_hbm.at[pl.ds(0, _CHUNK), :], rb, gs).wait()
          pltpu.sync_copy(rb, acc.at[dbuf.at[j]], add=True)
          pltpu.sync_copy(ones, deg.at[dbuf.at[j]], add=True)
          @pl.when(j + 2 < _HALF)
          def _():
            pltpu.async_copy(feat_hbm.at[sbuf.at[j + 2]], rb, gs)
        return carry

      lax.fori_loop(0, _HALF // 2, pair, 0)

    plsc.subcore_barrier()

    pltpu.sync_copy(acc.at[pl.ds(base, rows_per_tile), :],
                    psum_out.at[c, pl.ds(base, rows_per_tile), :])
    pltpu.sync_copy(deg.at[pl.ds(base, rows_per_tile)],
                    pdeg_out.at[c, pl.ds(base, rows_per_tile)])

  return body(feat_src, src2d, dst2d, jnp.zeros((_NP, _D), _f32))


def _combine(psum, pdeg, h_self):
  p0, p1 = psum[0], psum[1]
  d0 = pdeg[0].reshape(-1, 1)
  d1 = pdeg[1].reshape(-1, 1)
  rows = 1000
  grid = (_N // rows,)

  def body(p0_ref, p1_ref, d0_ref, d1_ref, h_ref, o_ref):
    degree = jnp.maximum(d0_ref[...] + d1_ref[...], 1.0)
    o_ref[...] = jnp.maximum(
        (p0_ref[...] + p1_ref[...]) / degree + h_ref[...], 0.0)

  return pl.pallas_call(
      body,
      grid=grid,
      in_specs=[
          pl.BlockSpec((rows, _D), lambda i: (i, 0)),
          pl.BlockSpec((rows, _D), lambda i: (i, 0)),
          pl.BlockSpec((rows, 1), lambda i: (i, 0)),
          pl.BlockSpec((rows, 1), lambda i: (i, 0)),
          pl.BlockSpec((rows, _D), lambda i: (i, 0)),
      ],
      out_specs=pl.BlockSpec((rows, _D), lambda i: (i, 0)),
      out_shape=jax.ShapeDtypeStruct((_N, _D), _f32),
  )(p0, p1, d0, d1, h_self)


def kernel(feat_src, h_self, edge_index):
  npad = _EPAD - _E
  src2d = jnp.concatenate(
      [edge_index[0], jnp.zeros((npad,), jnp.int32)]).reshape(-1, _CHUNK)
  dst2d = jnp.concatenate(
      [edge_index[1], jnp.full((npad,), _NP - 1, jnp.int32)]).reshape(-1, _CHUNK)
  psum, pdeg = _sc_partials(feat_src, src2d, dst2d)
  return _combine(psum, pdeg, h_self)

# --- scband reference (transcript-rebuilt; emitter-appended) ---
"""Pipeline reference for scband-sagemean-agg-11845519802671 (READ-ONLY COPY).

The authoritative reference and input builder live on the scoring server;
editing this copy changes nothing except your own understanding.
"""

import jax, jax.numpy as jnp
import numpy as np

N_NODES = 10000
N_EDGES = 320000
D_FEAT = 128


def setup_inputs(seed: int = 0) -> dict:
    key = jax.random.key(seed)
    k1, k2, k3 = jax.random.split(key, 3)
    feat_src = jax.random.normal(k1, (N_NODES, D_FEAT), dtype=jnp.float32)
    h_self = jax.random.normal(k2, (N_NODES, D_FEAT), dtype=jnp.float32)
    edge_index = jax.random.randint(k3, (2, N_EDGES), 0, N_NODES, dtype=jnp.int32)
    return {"feat_src": feat_src, "h_self": h_self, "edge_index": edge_index}


def reference(feat_src, h_self, edge_index):
    # DGL SAGE mean aggregation. Dropout is identity at inference (p applied only in train).
    src = edge_index[0]
    dst = edge_index[1]
    # copy_src('h','m'): gather source features onto edges
    msgs = jnp.take(feat_src, src, axis=0)
    # fn.mean('m','neigh'): per-destination mean of incoming messages
    summed = jax.ops.segment_sum(msgs, dst, num_segments=N_NODES)
    deg = jax.ops.segment_sum(jnp.ones((N_EDGES,), dtype=feat_src.dtype), dst, num_segments=N_NODES)
    h_neigh = summed / jnp.maximum(deg, 1.0)[:, None]
    h = h_neigh + h_self
    return jax.nn.relu(h)

if __name__ == "__main__":
    import jax
    _d = setup_inputs()
    print(jax.jit(kernel)(*tuple(_d.values())))

</pallas_src>

<mosaic_0001>
#map = affine_map<(d0, d1) -> (0, 0)>
#map1 = affine_map<(d0, d1) -> (0, 0, 0)>
module attributes {stable_mosaic.version = 14 : i64} {
  func.func @body(%arg0: i32, %arg1: i32, %arg2: memref<10000x128xf32, #tpu.memory_space<hbm>>, %arg3: memref<2560x128xi32, #tpu.memory_space<hbm>>, %arg4: memref<2560x128xi32, #tpu.memory_space<hbm>>, %arg5: memref<10240x128xf32, #tpu.memory_space<hbm>>, %arg6: memref<2x10240x128xf32, #tpu.memory_space<hbm>>, %arg7: memref<2x10240xf32, #tpu.memory_space<hbm>>, %arg8: memref<128x128xf32, #tpu.memory_space<vmem>>, %arg9: memref<128x128xf32, #tpu.memory_space<vmem>>, %arg10: memref<40x128xi32, #tpu.memory_space<vmem>>, %arg11: memref<40x128xi32, #tpu.memory_space<vmem>>, %arg12: memref<128xf32, #tpu.memory_space<vmem>>, %arg13: memref<640xf32, #tpu.memory_space<vmem>>, %arg14: memref<10240x128xf32, #tpu.memory_space<vmem_shared>>, %arg15: memref<10240xf32, #tpu.memory_space<vmem_shared>>, %arg16: memref<!tpu.dma_semaphore, #tpu.memory_space<semaphore_mem>>, %arg17: memref<!tpu.dma_semaphore, #tpu.memory_space<semaphore_mem>>) attributes {dimension_semantics = [#tpu.dimension_semantics<core_parallel>, #tpu.dimension_semantics<subcore_parallel>], iteration_bounds = array<i64: 2, 16>, scalar_prefetch = 0 : i64, scratch_operands = 10 : i64, tpu.core_type = #tpu.core_type<sc_vector_subcore>, window_params = [{transform_indices = #map}, {transform_indices = #map}, {transform_indices = #map}, {transform_indices = #map}, {transform_indices = #map1}, {transform_indices = #map}]} {
    %mul3A = arith.constant 16 : i32
    %mul3A_0 = arith.muli %arg0, %mul3A : i32
    %add3A = arith.addi %mul3A_0, %arg1 : i32
    %broadcast_in_dim3A = arith.constant 1.000000e+00 : f32
    %broadcast_in_dim3A_1 = vector.broadcast %broadcast_in_dim3A : f32 to vector<16xf32>
    %swap3A = arith.constant 0 : index
    %swap3A_2 = tpu.vector_load %arg12[%swap3A] {strides = array<i32>} : memref<128xf32, #tpu.memory_space<vmem>>, vector<16xf32>,
    %swap3A_3 = vector.shape_cast %swap3A_2 : vector<16xf32> to vector<16xf32>
    %swap3A_4 = vector.shape_cast %broadcast_in_dim3A_1 : vector<16xf32> to vector<16xf32>
    tpu.vector_store %arg12[%swap3A], %swap3A_4 {strides = array<i32>} : memref<128xf32, #tpu.memory_space<vmem>>, vector<16xf32>,
    %broadcast_in_dim3A_5 = arith.constant 1.000000e+00 : f32
    %broadcast_in_dim3A_6 = vector.broadcast %broadcast_in_dim3A_5 : f32 to vector<16xf32>
    %swap3A_7 = arith.constant 16 : index
    %swap3A_8 = tpu.vector_load %arg12[%swap3A_7] {strides = array<i32>} : memref<128xf32, #tpu.memory_space<vmem>>, vector<16xf32>,
    %swap3A_9 = vector.shape_cast %swap3A_8 : vector<16xf32> to vector<16xf32>
    %swap3A_10 = vector.shape_cast %broadcast_in_dim3A_6 : vector<16xf32> to vector<16xf32>
    tpu.vector_store %arg12[%swap3A_7], %swap3A_10 {strides = array<i32>} : memref<128xf32, #tpu.memory_space<vmem>>, vector<16xf32>,
    %broadcast_in_dim3A_11 = arith.constant 1.000000e+00 : f32
    %broadcast_in_dim3A_12 = vector.broadcast %broadcast_in_dim3A_11 : f32 to vector<16xf32>
    %swap3A_13 = arith.constant 32 : index
    %swap3A_14 = tpu.vector_load %arg12[%swap3A_13] {strides = array<i32>} : memref<128xf32, #tpu.memory_space<vmem>>, vector<16xf32>,
    %swap3A_15 = vector.shape_cast %swap3A_14 : vector<16xf32> to vector<16xf32>
    %swap3A_16 = vector.shape_cast %broadcast_in_dim3A_12 : vector<16xf32> to vector<16xf32>
    tpu.vector_store %arg12[%swap3A_13], %swap3A_16 {strides = array<i32>} : memref<128xf32, #tpu.memory_space<vmem>>, vector<16xf32>,
    %broadcast_in_dim3A_17 = arith.constant 1.000000e+00 : f32
    %broadcast_in_dim3A_18 = vector.broadcast %broadcast_in_dim3A_17 : f32 to vector<16xf32>
    %swap3A_19 = arith.constant 48 : index
    %swap3A_20 = tpu.vector_load %arg12[%swap3A_19] {strides = array<i32>} : memref<128xf32, #tpu.memory_space<vmem>>, vector<16xf32>,
    %swap3A_21 = vector.shape_cast %swap3A_20 : vector<16xf32> to vector<16xf32>
    %swap3A_22 = vector.shape_cast %broadcast_in_dim3A_18 : vector<16xf32> to vector<16xf32>
    tpu.vector_store %arg12[%swap3A_19], %swap3A_22 {strides = array<i32>} : memref<128xf32, #tpu.memory_space<vmem>>, vector<16xf32>,
    %broadcast_in_dim3A_23 = arith.constant 1.000000e+00 : f32
    %broadcast_in_dim3A_24 = vector.broadcast %broadcast_in_dim3A_23 : f32 to vector<16xf32>
    %swap3A_25 = arith.constant 64 : index
    %swap3A_26 = tpu.vector_load %arg12[%swap3A_25] {strides = array<i32>} : memref<128xf32, #tpu.memory_space<vmem>>, vector<16xf32>,
    %swap3A_27 = vector.shape_cast %swap3A_26 : vector<16xf32> to vector<16xf32>
    %swap3A_28 = vector.shape_cast %broadcast_in_dim3A_24 : vector<16xf32> to vector<16xf32>
    tpu.vector_store %arg12[%swap3A_25], %swap3A_28 {strides = array<i32>} : memref<128xf32, #tpu.memory_space<vmem>>, vector<16xf32>,
    %broadcast_in_dim3A_29 = arith.constant 1.000000e+00 : f32
    %broadcast_in_dim3A_30 = vector.broadcast %broadcast_in_dim3A_29 : f32 to vector<16xf32>
    %swap3A_31 = arith.constant 80 : index
    %swap3A_32 = tpu.vector_load %arg12[%swap3A_31] {strides = array<i32>} : memref<128xf32, #tpu.memory_space<vmem>>, vector<16xf32>,
    %swap3A_33 = vector.shape_cast %swap3A_32 : vector<16xf32> to vector<16xf32>
    %swap3A_34 = vector.shape_cast %broadcast_in_dim3A_30 : vector<16xf32> to vector<16xf32>
    tpu.vector_store %arg12[%swap3A_31], %swap3A_34 {strides = array<i32>} : memref<128xf32, #tpu.memory_space<vmem>>, vector<16xf32>,
    %broadcast_in_dim3A_35 = arith.constant 1.000000e+00 : f32
    %broadcast_in_dim3A_36 = vector.broadcast %broadcast_in_dim3A_35 : f32 to vector<16xf32>
    %swap3A_37 = arith.constant 96 : index
    %swap3A_38 = tpu.vector_load %arg12[%swap3A_37] {strides = array<i32>} : memref<128xf32, #tpu.memory_space<vmem>>, vector<16xf32>,
    %swap3A_39 = vector.shape_cast %swap3A_38 : vector<16xf32> to vector<16xf32>
    %swap3A_40 = vector.shape_cast %broadcast_in_dim3A_36 : vector<16xf32> to vector<16xf32>
    tpu.vector_store %arg12[%swap3A_37], %swap3A_40 {strides = array<i32>} : memref<128xf32, #tpu.memory_space<vmem>>, vector<16xf32>,
    %broadcast_in_dim3A_41 = arith.constant 1.000000e+00 : f32
    %broadcast_in_dim3A_42 = vector.broadcast %broadcast_in_dim3A_41 : f32 to vector<16xf32>
    %swap3A_43 = arith.constant 112 : index
    %swap3A_44 = tpu.vector_load %arg12[%swap3A_43] {strides = array<i32>} : memref<128xf32, #tpu.memory_space<vmem>>, vector<16xf32>,
    %swap3A_45 = vector.shape_cast %swap3A_44 : vector<16xf32> to vector<16xf32>
    %swap3A_46 = vector.shape_cast %broadcast_in_dim3A_42 : vector<16xf32> to vector<16xf32>
    tpu.vector_store %arg12[%swap3A_43], %swap3A_46 {strides = array<i32>} : memref<128xf32, #tpu.memory_space<vmem>>, vector<16xf32>,
    %broadcast_in_dim3A_47 = arith.constant 0.000000e+00 : f32
    %broadcast_in_dim3A_48 = vector.broadcast %broadcast_in_dim3A_47 : f32 to vector<16xf32>
    %swap3A_49 = arith.constant 0 : index
    %swap3A_50 = tpu.vector_load %arg13[%swap3A_49] {strides = array<i32>} : memref<640xf32, #tpu.memory_space<vmem>>, vector<16xf32>,
    %swap3A_51 = vector.shape_cast %swap3A_50 : vector<16xf32> to vector<16xf32>
    %swap3A_52 = vector.shape_cast %broadcast_in_dim3A_48 : vector<16xf32> to vector<16xf32>
    tpu.vector_store %arg13[%swap3A_49], %swap3A_52 {strides = array<i32>} : memref<640xf32, #tpu.memory_space<vmem>>, vector<16xf32>,
    %broadcast_in_dim3A_53 = arith.constant 0.000000e+00 : f32
    %broadcast_in_dim3A_54 = vector.broadcast %broadcast_in_dim3A_53 : f32 to vector<16xf32>
    %swap3A_55 = arith.constant 16 : index
    %swap3A_56 = tpu.vector_load %arg13[%swap3A_55] {strides = array<i32>} : memref<640xf32, #tpu.memory_space<vmem>>, vector<16xf32>,
    %swap3A_57 = vector.shape_cast %swap3A_56 : vector<16xf32> to vector<16xf32>
    %swap3A_58 = vector.shape_cast %broadcast_in_dim3A_54 : vector<16xf32> to vector<16xf32>
    tpu.vector_store %arg13[%swap3A_55], %swap3A_58 {strides = array<i32>} : memref<640xf32, #tpu.memory_space<vmem>>, vector<16xf32>,
    %broadcast_in_dim3A_59 = arith.constant 0.000000e+00 : f32
    %broadcast_in_dim3A_60 = vector.broadcast %broadcast_in_dim3A_59 : f32 to vector<16xf32>
    %swap3A_61 = arith.constant 32 : index
    %swap3A_62 = tpu.vector_load %arg13[%swap3A_61] {strides = array<i32>} : memref<640xf32, #tpu.memory_space<vmem>>, vector<16xf32>,
    %swap3A_63 = vector.shape_cast %swap3A_62 : vector<16xf32> to vector<16xf32>
    %swap3A_64 = vector.shape_cast %broadcast_in_dim3A_60 : vector<16xf32> to vector<16xf32>
    tpu.vector_store %arg13[%swap3A_61], %swap3A_64 {strides = array<i32>} : memref<640xf32, #tpu.memory_space<vmem>>, vector<16xf32>,
    %broadcast_in_dim3A_65 = arith.constant 0.000000e+00 : f32
    %broadcast_in_dim3A_66 = vector.broadcast %broadcast_in_dim3A_65 : f32 to vector<16xf32>
    %swap3A_67 = arith.constant 48 : index
    %swap3A_68 = tpu.vector_load %arg13[%swap3A_67] {strides = array<i32>} : memref<640xf32, #tpu.memory_space<vmem>>, vector<16xf32>,
    %swap3A_69 = vector.shape_cast %swap3A_68 : vector<16xf32> to vector<16xf32>
    %swap3A_70 = vector.shape_cast %broadcast_in_dim3A_66 : vector<16xf32> to vector<16xf32>
    tpu.vector_store %arg13[%swap3A_67], %swap3A_70 {strides = array<i32>} : memref<640xf32, #tpu.memory_space<vmem>>, vector<16xf32>,
    %broadcast_in_dim3A_71 = arith.constant 0.000000e+00 : f32
    %broadcast_in_dim3A_72 = vector.broadcast %broadcast_in_dim3A_71 : f32 to vector<16xf32>
    %swap3A_73 = arith.constant 64 : index
    %swap3A_74 = tpu.vector_load %arg13[%swap3A_73] {strides = array<i32>} : memref<640xf32, #tpu.memory_space<vmem>>, vector<16xf32>,
    %swap3A_75 = vector.shape_cast %swap3A_74 : vector<16xf32> to vector<16xf32>
    %swap3A_76 = vector.shape_cast %broadcast_in_dim3A_72 : vector<16xf32> to vector<16xf32>
    tpu.vector_store %arg13[%swap3A_73], %swap3A_76 {strides = array<i32>} : memref<640xf32, #tpu.memory_space<vmem>>, vector<16xf32>,
    %broadcast_in_dim3A_77 = arith.constant 0.000000e+00 : f32
    %broadcast_in_dim3A_78 = vector.broadcast %broadcast_in_dim3A_77 : f32 to vector<16xf32>
    %swap3A_79 = arith.constant 80 : index
    %swap3A_80 = tpu.vector_load %arg13[%swap3A_79] {strides = array<i32>} : memref<640xf32, #tpu.memory_space<vmem>>, vector<16xf32>,
    %swap3A_81 = vector.shape_cast %swap3A_80 : vector<16xf32> to vector<16xf32>
    %swap3A_82 = vector.shape_cast %broadcast_in_dim3A_78 : vector<16xf32> to vector<16xf32>
    tpu.vector_store %arg13[%swap3A_79], %swap3A_82 {strides = array<i32>} : memref<640xf32, #tpu.memory_space<vmem>>, vector<16xf32>,
    %broadcast_in_dim3A_83 = arith.constant 0.000000e+00 : f32
    %broadcast_in_dim3A_84 = vector.broadcast %broadcast_in_dim3A_83 : f32 to vector<16xf32>
    %swap3A_85 = arith.constant 96 : index
    %swap3A_86 = tpu.vector_load %arg13[%swap3A_85] {strides = array<i32>} : memref<640xf32, #tpu.memory_space<vmem>>, vector<16xf32>,
    %swap3A_87 = vector.shape_cast %swap3A_86 : vector<16xf32> to vector<16xf32>
    %swap3A_88 = vector.shape_cast %broadcast_in_dim3A_84 : vector<16xf32> to vector<16xf32>
    tpu.vector_store %arg13[%swap3A_85], %swap3A_88 {strides = array<i32>} : memref<640xf32, #tpu.memory_space<vmem>>, vector<16xf32>,
    %broadcast_in_dim3A_89 = arith.constant 0.000000e+00 : f32
    %broadcast_in_dim3A_90 = vector.broadcast %broadcast_in_dim3A_89 : f32 to vector<16xf32>
    %swap3A_91 = arith.constant 112 : index
    %swap3A_92 = tpu.vector_load %arg13[%swap3A_91] {strides = array<i32>} : memref<640xf32, #tpu.memory_space<vmem>>, vector<16xf32>,
    %swap3A_93 = vector.shape_cast %swap3A_92 : vector<16xf32> to vector<16xf32>
    %swap3A_94 = vector.shape_cast %broadcast_in_dim3A_90 : vector<16xf32> to vector<16xf32>
    tpu.vector_store %arg13[%swap3A_91], %swap3A_94 {strides = array<i32>} : memref<640xf32, #tpu.memory_space<vmem>>, vector<16xf32>,
    %broadcast_in_dim3A_95 = arith.constant 0.000000e+00 : f32
    %broadcast_in_dim3A_96 = vector.broadcast %broadcast_in_dim3A_95 : f32 to vector<16xf32>
    %swap3A_97 = arith.constant 128 : index
    %swap3A_98 = tpu.vector_load %arg13[%swap3A_97] {strides = array<i32>} : memref<640xf32, #tpu.memory_space<vmem>>, vector<16xf32>,
    %swap3A_99 = vector.shape_cast %swap3A_98 : vector<16xf32> to vector<16xf32>
    %swap3A_100 = vector.shape_cast %broadcast_in_dim3A_96 : vector<16xf32> to vector<16xf32>
    tpu.vector_store %arg13[%swap3A_97], %swap3A_100 {strides = array<i32>} : memref<640xf32, #tpu.memory_space<vmem>>, vector<16xf32>,
    %broadcast_in_dim3A_101 = arith.constant 0.000000e+00 : f32
    %broadcast_in_dim3A_102 = vector.broadcast %broadcast_in_dim3A_101 : f32 to vector<16xf32>
    %swap3A_103 = arith.constant 144 : index
    %swap3A_104 = tpu.vector_load %arg13[%swap3A_103] {strides = array<i32>} : memref<640xf32, #tpu.memory_space<vmem>>, vector<16xf32>,
    %swap3A_105 = vector.shape_cast %swap3A_104 : vector<16xf32> to vector<16xf32>
    %swap3A_106 = vector.shape_cast %broadcast_in_dim3A_102 : vector<16xf32> to vector<16xf32>
    tpu.vector_store %arg13[%swap3A_103], %swap3A_106 {strides = array<i32>} : memref<640xf32, #tpu.memory_space<vmem>>, vector<16xf32>,
    %broadcast_in_dim3A_107 = arith.constant 0.000000e+00 : f32
    %broadcast_in_dim3A_108 = vector.broadcast %broadcast_in_dim3A_107 : f32 to vector<16xf32>
    %swap3A_109 = arith.constant 160 : index
    %swap3A_110 = tpu.vector_load %arg13[%swap3A_109] {strides = array<i32>} : memref<640xf32, #tpu.memory_space<vmem>>, vector<16xf32>,
    %swap3A_111 = vector.shape_cast %swap3A_110 : vector<16xf32> to vector<16xf32>
    %swap3A_112 = vector.shape_cast %broadcast_in_dim3A_108 : vector<16xf32> to vector<16xf32>
    tpu.vector_store %arg13[%swap3A_109], %swap3A_112 {strides = array<i32>} : memref<640xf32, #tpu.memory_space<vmem>>, vector<16xf32>,
    %broadcast_in_dim3A_113 = arith.constant 0.000000e+00 : f32
    %broadcast_in_dim3A_114 = vector.broadcast %broadcast_in_dim3A_113 : f32 to vector<16xf32>
    %swap3A_115 = arith.constant 176 : index
    %swap3A_116 = tpu.vector_load %arg13[%swap3A_115] {strides = array<i32>} : memref<640xf32, #tpu.memory_space<vmem>>, vector<16xf32>,
    %swap3A_117 = vector.shape_cast %swap3A_116 : vector<16xf32> to vector<16xf32>
    %swap3A_118 = vector.shape_cast %broadcast_in_dim3A_114 : vector<16xf32> to vector<16xf32>
    tpu.vector_store %arg13[%swap3A_115], %swap3A_118 {strides = array<i32>} : memref<640xf32, #tpu.memory_space<vmem>>, vector<16xf32>,
    %broadcast_in_dim3A_119 = arith.constant 0.000000e+00 : f32
    %broadcast_in_dim3A_120 = vector.broadcast %broadcast_in_dim3A_119 : f32 to vector<16xf32>
    %swap3A_121 = arith.constant 192 : index
    %swap3A_122 = tpu.vector_load %arg13[%swap3A_121] {strides = array<i32>} : memref<640xf32, #tpu.memory_space<vmem>>, vector<16xf32>,
    %swap3A_123 = vector.shape_cast %swap3A_122 : vector<16xf32> to vector<16xf32>
    %swap3A_124 = vector.shape_cast %broadcast_in_dim3A_120 : vector<16xf32> to vector<16xf32>
    tpu.vector_store %arg13[%swap3A_121], %swap3A_124 {strides = array<i32>} : memref<640xf32, #tpu.memory_space<vmem>>, vector<16xf32>,
    %broadcast_in_dim3A_125 = arith.constant 0.000000e+00 : f32
    %broadcast_in_dim3A_126 = vector.broadcast %broadcast_in_dim3A_125 : f32 to vector<16xf32>
    %swap3A_127 = arith.constant 208 : index
    %swap3A_128 = tpu.vector_load %arg13[%swap3A_127] {strides = array<i32>} : memref<640xf32, #tpu.memory_space<vmem>>, vector<16xf32>,
    %swap3A_129 = vector.shape_cast %swap3A_128 : vector<16xf32> to vector<16xf32>
    %swap3A_130 = vector.shape_cast %broadcast_in_dim3A_126 : vector<16xf32> to vector<16xf32>
    tpu.vector_store %arg13[%swap3A_127], %swap3A_130 {strides = array<i32>} : memref<640xf32, #tpu.memory_space<vmem>>, vector<16xf32>,
    %broadcast_in_dim3A_131 = arith.constant 0.000000e+00 : f32
    %broadcast_in_dim3A_132 = vector.broadcast %broadcast_in_dim3A_131 : f32 to vector<16xf32>
    %swap3A_133 = arith.constant 224 : index
    %swap3A_134 = tpu.vector_load %arg13[%swap3A_133] {strides = array<i32>} : memref<640xf32, #tpu.memory_space<vmem>>, vector<16xf32>,
    %swap3A_135 = vector.shape_cast %swap3A_134 : vector<16xf32> to vector<16xf32>
    %swap3A_136 = vector.shape_cast %broadcast_in_dim3A_132 : vector<16xf32> to vector<16xf32>
    tpu.vector_store %arg13[%swap3A_133], %swap3A_136 {strides = array<i32>} : memref<640xf32, #tpu.memory_space<vmem>>, vector<16xf32>,
    %broadcast_in_dim3A_137 = arith.constant 0.000000e+00 : f32
    %broadcast_in_dim3A_138 = vector.broadcast %broadcast_in_dim3A_137 : f32 to vector<16xf32>
    %swap3A_139 = arith.constant 240 : index
    %swap3A_140 = tpu.vector_load %arg13[%swap3A_139] {strides = array<i32>} : memref<640xf32, #tpu.memory_space<vmem>>, vector<16xf32>,
    %swap3A_141 = vector.shape_cast %swap3A_140 : vector<16xf32> to vector<16xf32>
    %swap3A_142 = vector.shape_cast %broadcast_in_dim3A_138 : vector<16xf32> to vector<16xf32>
    tpu.vector_store %arg13[%swap3A_139], %swap3A_142 {strides = array<i32>} : memref<640xf32, #tpu.memory_space<vmem>>, vector<16xf32>,
    %broadcast_in_dim3A_143 = arith.constant 0.000000e+00 : f32
    %broadcast_in_dim3A_144 = vector.broadcast %broadcast_in_dim3A_143 : f32 to vector<16xf32>
    %swap3A_145 = arith.constant 256 : index
    %swap3A_146 = tpu.vector_load %arg13[%swap3A_145] {strides = array<i32>} : memref<640xf32, #tpu.memory_space<vmem>>, vector<16xf32>,
    %swap3A_147 = vector.shape_cast %swap3A_146 : vector<16xf32> to vector<16xf32>
    %swap3A_148 = vector.shape_cast %broadcast_in_dim3A_144 : vector<16xf32> to vector<16xf32>
    tpu.vector_store %arg13[%swap3A_145], %swap3A_148 {strides = array<i32>} : memref<640xf32, #tpu.memory_space<vmem>>, vector<16xf32>,
    %broadcast_in_dim3A_149 = arith.constant 0.000000e+00 : f32
    %broadcast_in_dim3A_150 = vector.broadcast %broadcast_in_dim3A_149 : f32 to vector<16xf32>
    %swap3A_151 = arith.constant 272 : index
    %swap3A_152 = tpu.vector_load %arg13[%swap3A_151] {strides = array<i32>} : memref<640xf32, #tpu.memory_space<vmem>>, vector<16xf32>,
    %swap3A_153 = vector.shape_cast %swap3A_152 : vector<16xf32> to vector<16xf32>
    %swap3A_154 = vector.shape_cast %broadcast_in_dim3A_150 : vector<16xf32> to vector<16xf32>
    tpu.vector_store %arg13[%swap3A_151], %swap3A_154 {strides = array<i32>} : memref<640xf32, #tpu.memory_space<vmem>>, vector<16xf32>,
    %broadcast_in_dim3A_155 = arith.constant 0.000000e+00 : f32
    %broadcast_in_dim3A_156 = vector.broadcast %broadcast_in_dim3A_155 : f32 to vector<16xf32>
    %swap3A_157 = arith.constant 288 : index
    %swap3A_158 = tpu.vector_load %arg13[%swap3A_157] {strides = array<i32>} : memref<640xf32, #tpu.memory_space<vmem>>, vector<16xf32>,
    %swap3A_159 = vector.shape_cast %swap3A_158 : vector<16xf32> to vector<16xf32>
    %swap3A_160 = vector.shape_cast %broadcast_in_dim3A_156 : vector<16xf32> to vector<16xf32>
    tpu.vector_store %arg13[%swap3A_157], %swap3A_160 {strides = array<i32>} : memref<640xf32, #tpu.memory_space<vmem>>, vector<16xf32>,
    %broadcast_in_dim3A_161 = arith.constant 0.000000e+00 : f32
    %broadcast_in_dim3A_162 = vector.broadcast %broadcast_in_dim3A_161 : f32 to vector<16xf32>
    %swap3A_163 = arith.constant 304 : index
    %swap3A_164 = tpu.vector_load %arg13[%swap3A_163] {strides = array<i32>} : memref<640xf32, #tpu.memory_space<vmem>>, vector<16xf32>,
    %swap3A_165 = vector.shape_cast %swap3A_164 : vector<16xf32> to vector<16xf32>
    %swap3A_166 = vector.shape_cast %broadcast_in_dim3A_162 : vector<16xf32> to vector<16xf32>
    tpu.vector_store %arg13[%swap3A_163], %swap3A_166 {strides = array<i32>} : memref<640xf32, #tpu.memory_space<vmem>>, vector<16xf32>,
    %broadcast_in_dim3A_167 = arith.constant 0.000000e+00 : f32
    %broadcast_in_dim3A_168 = vector.broadcast %broadcast_in_dim3A_167 : f32 to vector<16xf32>
    %swap3A_169 = arith.constant 320 : index
    %swap3A_170 = tpu.vector_load %arg13[%swap3A_169] {strides = array<i32>} : memref<640xf32, #tpu.memory_space<vmem>>, vector<16xf32>,
    %swap3A_171 = vector.shape_cast %swap3A_170 : vector<16xf32> to vector<16xf32>
    %swap3A_172 = vector.shape_cast %broadcast_in_dim3A_168 : vector<16xf32> to vector<16xf32>
    tpu.vector_store %arg13[%swap3A_169], %swap3A_172 {strides = array<i32>} : memref<640xf32, #tpu.memory_space<vmem>>, vector<16xf32>,
    %broadcast_in_dim3A_173 = arith.constant 0.000000e+00 : f32
    %broadcast_in_dim3A_174 = vector.broadcast %broadcast_in_dim3A_173 : f32 to vector<16xf32>
    %swap3A_175 = arith.constant 336 : index
    %swap3A_176 = tpu.vector_load %arg13[%swap3A_175] {strides = array<i32>} : memref<640xf32, #tpu.memory_space<vmem>>, vector<16xf32>,
    %swap3A_177 = vector.shape_cast %swap3A_176 : vector<16xf32> to vector<16xf32>
    %swap3A_178 = vector.shape_cast %broadcast_in_dim3A_174 : vector<16xf32> to vector<16xf32>
    tpu.vector_store %arg13[%swap3A_175], %swap3A_178 {strides = array<i32>} : memref<640xf32, #tpu.memory_space<vmem>>, vector<16xf32>,
    %broadcast_in_dim3A_179 = arith.constant 0.000000e+00 : f32
    %broadcast_in_dim3A_180 = vector.broadcast %broadcast_in_dim3A_179 : f32 to vector<16xf32>
    %swap3A_181 = arith.constant 352 : index
    %swap3A_182 = tpu.vector_load %arg13[%swap3A_181] {strides = array<i32>} : memref<640xf32, #tpu.memory_space<vmem>>, vector<16xf32>,
    %swap3A_183 = vector.shape_cast %swap3A_182 : vector<16xf32> to vector<16xf32>
    %swap3A_184 = vector.shape_cast %broadcast_in_dim3A_180 : vector<16xf32> to vector<16xf32>
    tpu.vector_store %arg13[%swap3A_181], %swap3A_184 {strides = array<i32>} : memref<640xf32, #tpu.memory_space<vmem>>, vector<16xf32>,
    %broadcast_in_dim3A_185 = arith.constant 0.000000e+00 : f32
    %broadcast_in_dim3A_186 = vector.broadcast %broadcast_in_dim3A_185 : f32 to vector<16xf32>
    %swap3A_187 = arith.constant 368 : index
    %swap3A_188 = tpu.vector_load %arg13[%swap3A_187] {strides = array<i32>} : memref<640xf32, #tpu.memory_space<vmem>>, vector<16xf32>,
    %swap3A_189 = vector.shape_cast %swap3A_188 : vector<16xf32> to vector<16xf32>
    %swap3A_190 = vector.shape_cast %broadcast_in_dim3A_186 : vector<16xf32> to vector<16xf32>
    tpu.vector_store %arg13[%swap3A_187], %swap3A_190 {strides = array<i32>} : memref<640xf32, #tpu.memory_space<vmem>>, vector<16xf32>,
    %broadcast_in_dim3A_191 = arith.constant 0.000000e+00 : f32
    %broadcast_in_dim3A_192 = vector.broadcast %broadcast_in_dim3A_191 : f32 to vector<16xf32>
    %swap3A_193 = arith.constant 384 : index
    %swap3A_194 = tpu.vector_load %arg13[%swap3A_193] {strides = array<i32>} : memref<640xf32, #tpu.memory_space<vmem>>, vector<16xf32>,
    %swap3A_195 = vector.shape_cast %swap3A_194 : vector<16xf32> to vector<16xf32>
    %swap3A_196 = vector.shape_cast %broadcast_in_dim3A_192 : vector<16xf32> to vector<16xf32>
    tpu.vector_store %arg13[%swap3A_193], %swap3A_196 {strides = array<i32>} : memref<640xf32, #tpu.memory_space<vmem>>, vector<16xf32>,
    %broadcast_in_dim3A_197 = arith.constant 0.000000e+00 : f32
    %broadcast_in_dim3A_198 = vector.broadcast %broadcast_in_dim3A_197 : f32 to vector<16xf32>
    %swap3A_199 = arith.constant 400 : index
    %swap3A_200 = tpu.vector_load %arg13[%swap3A_199] {strides = array<i32>} : memref<640xf32, #tpu.memory_space<vmem>>, vector<16xf32>,
    %swap3A_201 = vector.shape_cast %swap3A_200 : vector<16xf32> to vector<16xf32>
    %swap3A_202 = vector.shape_cast %broadcast_in_dim3A_198 : vector<16xf32> to vector<16xf32>
    tpu.vector_store %arg13[%swap3A_199], %swap3A_202 {strides = array<i32>} : memref<640xf32, #tpu.memory_space<vmem>>, vector<16xf32>,
    %broadcast_in_dim3A_203 = arith.constant 0.000000e+00 : f32
    %broadcast_in_dim3A_204 = vector.broadcast %broadcast_in_dim3A_203 : f32 to vector<16xf32>
    %swap3A_205 = arith.constant 416 : index
    %swap3A_206 = tpu.vector_load %arg13[%swap3A_205] {strides = array<i32>} : memref<640xf32, #tpu.memory_space<vmem>>, vector<16xf32>,
    %swap3A_207 = vector.shape_cast %swap3A_206 : vector<16xf32> to vector<16xf32>
    %swap3A_208 = vector.shape_cast %broadcast_in_dim3A_204 : vector<16xf32> to vector<16xf32>
    tpu.vector_store %arg13[%swap3A_205], %swap3A_208 {strides = array<i32>} : memref<640xf32, #tpu.memory_space<vmem>>, vector<16xf32>,
    %broadcast_in_dim3A_209 = arith.constant 0.000000e+00 : f32
    %broadcast_in_dim3A_210 = vector.broadcast %broadcast_in_dim3A_209 : f32 to vector<16xf32>
    %swap3A_211 = arith.constant 432 : index
    %swap3A_212 = tpu.vector_load %arg13[%swap3A_211] {strides = array<i32>} : memref<640xf32, #tpu.memory_space<vmem>>, vector<16xf32>,
    %swap3A_213 = vector.shape_cast %swap3A_212 : vector<16xf32> to vector<16xf32>
    %swap3A_214 = vector.shape_cast %broadcast_in_dim3A_210 : vector<16xf32> to vector<16xf32>
    tpu.vector_store %arg13[%swap3A_211], %swap3A_214 {strides = array<i32>} : memref<640xf32, #tpu.memory_space<vmem>>, vector<16xf32>,
    %broadcast_in_dim3A_215 = arith.constant 0.000000e+00 : f32
    %broadcast_in_dim3A_216 = vector.broadcast %broadcast_in_dim3A_215 : f32 to vector<16xf32>
    %swap3A_217 = arith.constant 448 : index
    %swap3A_218 = tpu.vector_load %arg13[%swap3A_217] {strides = array<i32>} : memref<640xf32, #tpu.memory_space<vmem>>, vector<16xf32>,
    %swap3A_219 = vector.shape_cast %swap3A_218 : vector<16xf32> to vector<16xf32>
    %swap3A_220 = vector.shape_cast %broadcast_in_dim3A_216 : vector<16xf32> to vector<16xf32>
    tpu.vector_store %arg13[%swap3A_217], %swap3A_220 {strides = array<i32>} : memref<640xf32, #tpu.memory_space<vmem>>, vector<16xf32>,
    %broadcast_in_dim3A_221 = arith.constant 0.000000e+00 : f32
    %broadcast_in_dim3A_222 = vector.broadcast %broadcast_in_dim3A_221 : f32 to vector<16xf32>
    %swap3A_223 = arith.constant 464 : index
    %swap3A_224 = tpu.vector_load %arg13[%swap3A_223] {strides = array<i32>} : memref<640xf32, #tpu.memory_space<vmem>>, vector<16xf32>,
    %swap3A_225 = vector.shape_cast %swap3A_224 : vector<16xf32> to vector<16xf32>
    %swap3A_226 = vector.shape_cast %broadcast_in_dim3A_222 : vector<16xf32> to vector<16xf32>
    tpu.vector_store %arg13[%swap3A_223], %swap3A_226 {strides = array<i32>} : memref<640xf32, #tpu.memory_space<vmem>>, vector<16xf32>,
    %broadcast_in_dim3A_227 = arith.constant 0.000000e+00 : f32
    %broadcast_in_dim3A_228 = vector.broadcast %broadcast_in_dim3A_227 : f32 to vector<16xf32>
    %swap3A_229 = arith.constant 480 : index
    %swap3A_230 = tpu.vector_load %arg13[%swap3A_229] {strides = array<i32>} : memref<640xf32, #tpu.memory_space<vmem>>, vector<16xf32>,
    %swap3A_231 = vector.shape_cast %swap3A_230 : vector<16xf32> to vector<16xf32>
    %swap3A_232 = vector.shape_cast %broadcast_in_dim3A_228 : vector<16xf32> to vector<16xf32>
    tpu.vector_store %arg13[%swap3A_229], %swap3A_232 {strides = array<i32>} : memref<640xf32, #tpu.memory_space<vmem>>, vector<16xf32>,
    %broadcast_in_dim3A_233 = arith.constant 0.000000e+00 : f32
    %broadcast_in_dim3A_234 = vector.broadcast %broadcast_in_dim3A_233 : f32 to vector<16xf32>
    %swap3A_235 = arith.constant 496 : index
    %swap3A_236 = tpu.vector_load %arg13[%swap3A_235] {strides = array<i32>} : memref<640xf32, #tpu.memory_space<vmem>>, vector<16xf32>,
    %swap3A_237 = vector.shape_cast %swap3A_236 : vector<16xf32> to vector<16xf32>
    %swap3A_238 = vector.shape_cast %broadcast_in_dim3A_234 : vector<16xf32> to vector<16xf32>
    tpu.vector_store %arg13[%swap3A_235], %swap3A_238 {strides = array<i32>} : memref<640xf32, #tpu.memory_space<vmem>>, vector<16xf32>,
    %broadcast_in_dim3A_239 = arith.constant 0.000000e+00 : f32
    %broadcast_in_dim3A_240 = vector.broadcast %broadcast_in_dim3A_239 : f32 to vector<16xf32>
    %swap3A_241 = arith.constant 512 : index
    %swap3A_242 = tpu.vector_load %arg13[%swap3A_241] {strides = array<i32>} : memref<640xf32, #tpu.memory_space<vmem>>, vector<16xf32>,
    %swap3A_243 = vector.shape_cast %swap3A_242 : vector<16xf32> to vector<16xf32>
    %swap3A_244 = vector.shape_cast %broadcast_in_dim3A_240 : vector<16xf32> to vector<16xf32>
    tpu.vector_store %arg13[%swap3A_241], %swap3A_244 {strides = array<i32>} : memref<640xf32, #tpu.memory_space<vmem>>, vector<16xf32>,
    %broadcast_in_dim3A_245 = arith.constant 0.000000e+00 : f32
    %broadcast_in_dim3A_246 = vector.broadcast %broadcast_in_dim3A_245 : f32 to vector<16xf32>
    %swap3A_247 = arith.constant 528 : index
    %swap3A_248 = tpu.vector_load %arg13[%swap3A_247] {strides = array<i32>} : memref<640xf32, #tpu.memory_space<vmem>>, vector<16xf32>,
    %swap3A_249 = vector.shape_cast %swap3A_248 : vector<16xf32> to vector<16xf32>
    %swap3A_250 = vector.shape_cast %broadcast_in_dim3A_246 : vector<16xf32> to vector<16xf32>
    tpu.vector_store %arg13[%swap3A_247], %swap3A_250 {strides = array<i32>} : memref<640xf32, #tpu.memory_space<vmem>>, vector<16xf32>,
    %broadcast_in_dim3A_251 = arith.constant 0.000000e+00 : f32
    %broadcast_in_dim3A_252 = vector.broadcast %broadcast_in_dim3A_251 : f32 to vector<16xf32>
    %swap3A_253 = arith.constant 544 : index
    %swap3A_254 = tpu.vector_load %arg13[%swap3A_253] {strides = array<i32>} : memref<640xf32, #tpu.memory_space<vmem>>, vector<16xf32>,
    %swap3A_255 = vector.shape_cast %swap3A_254 : vector<16xf32> to vector<16xf32>
    %swap3A_256 = vector.shape_cast %broadcast_in_dim3A_252 : vector<16xf32> to vector<16xf32>
    tpu.vector_store %arg13[%swap3A_253], %swap3A_256 {strides = array<i32>} : memref<640xf32, #tpu.memory_space<vmem>>, vector<16xf32>,
    %broadcast_in_dim3A_257 = arith.constant 0.000000e+00 : f32
    %broadcast_in_dim3A_258 = vector.broadcast %broadcast_in_dim3A_257 : f32 to vector<16xf32>
    %swap3A_259 = arith.constant 560 : index
    %swap3A_260 = tpu.vector_load %arg13[%swap3A_259] {strides = array<i32>} : memref<640xf32, #tpu.memory_space<vmem>>, vector<16xf32>,
    %swap3A_261 = vector.shape_cast %swap3A_260 : vector<16xf32> to vector<16xf32>
    %swap3A_262 = vector.shape_cast %broadcast_in_dim3A_258 : vector<16xf32> to vector<16xf32>
    tpu.vector_store %arg13[%swap3A_259], %swap3A_262 {strides = array<i32>} : memref<640xf32, #tpu.memory_space<vmem>>, vector<16xf32>,
    %broadcast_in_dim3A_263 = arith.constant 0.000000e+00 : f32
    %broadcast_in_dim3A_264 = vector.broadcast %broadcast_in_dim3A_263 : f32 to vector<16xf32>
    %swap3A_265 = arith.constant 576 : index
    %swap3A_266 = tpu.vector_load %arg13[%swap3A_265] {strides = array<i32>} : memref<640xf32, #tpu.memory_space<vmem>>, vector<16xf32>,
    %swap3A_267 = vector.shape_cast %swap3A_266 : vector<16xf32> to vector<16xf32>
    %swap3A_268 = vector.shape_cast %broadcast_in_dim3A_264 : vector<16xf32> to vector<16xf32>
    tpu.vector_store %arg13[%swap3A_265], %swap3A_268 {strides = array<i32>} : memref<640xf32, #tpu.memory_space<vmem>>, vector<16xf32>,
    %broadcast_in_dim3A_269 = arith.constant 0.000000e+00 : f32
    %broadcast_in_dim3A_270 = vector.broadcast %broadcast_in_dim3A_269 : f32 to vector<16xf32>
    %swap3A_271 = arith.constant 592 : index
    %swap3A_272 = tpu.vector_load %arg13[%swap3A_271] {strides = array<i32>} : memref<640xf32, #tpu.memory_space<vmem>>, vector<16xf32>,
    %swap3A_273 = vector.shape_cast %swap3A_272 : vector<16xf32> to vector<16xf32>
    %swap3A_274 = vector.shape_cast %broadcast_in_dim3A_270 : vector<16xf32> to vector<16xf32>
    tpu.vector_store %arg13[%swap3A_271], %swap3A_274 {strides = array<i32>} : memref<640xf32, #tpu.memory_space<vmem>>, vector<16xf32>,
    %broadcast_in_dim3A_275 = arith.constant 0.000000e+00 : f32
    %broadcast_in_dim3A_276 = vector.broadcast %broadcast_in_dim3A_275 : f32 to vector<16xf32>
    %swap3A_277 = arith.constant 608 : index
    %swap3A_278 = tpu.vector_load %arg13[%swap3A_277] {strides = array<i32>} : memref<640xf32, #tpu.memory_space<vmem>>, vector<16xf32>,
    %swap3A_279 = vector.shape_cast %swap3A_278 : vector<16xf32> to vector<16xf32>
    %swap3A_280 = vector.shape_cast %broadcast_in_dim3A_276 : vector<16xf32> to vector<16xf32>
    tpu.vector_store %arg13[%swap3A_277], %swap3A_280 {strides = array<i32>} : memref<640xf32, #tpu.memory_space<vmem>>, vector<16xf32>,
    %broadcast_in_dim3A_281 = arith.constant 0.000000e+00 : f32
    %broadcast_in_dim3A_282 = vector.broadcast %broadcast_in_dim3A_281 : f32 to vector<16xf32>
    %swap3A_283 = arith.constant 624 : index
    %swap3A_284 = tpu.vector_load %arg13[%swap3A_283] {strides = array<i32>} : memref<640xf32, #tpu.memory_space<vmem>>, vector<16xf32>,
    %swap3A_285 = vector.shape_cast %swap3A_284 : vector<16xf32> to vector<16xf32>
    %swap3A_286 = vector.shape_cast %broadcast_in_dim3A_282 : vector<16xf32> to vector<16xf32>
    tpu.vector_store %arg13[%swap3A_283], %swap3A_286 {strides = array<i32>} : memref<640xf32, #tpu.memory_space<vmem>>, vector<16xf32>,
    %mul3A_287 = arith.constant 640 : i32
    %mul3A_288 = arith.muli %arg1, %mul3A_287 : i32
    "tpu.region"() ({
      %run_scoped3A = tpu.sem_alloc : memref<!tpu.dma_semaphore, #tpu.memory_space<semaphore_mem>>
      %dma_start3A_338 = arith.constant 0 : i32
      %dma_start3A_339 = tpu.memref_slice %arg14[%mul3A_288, %dma_start3A_338] : memref<10240x128xf32, #tpu.memory_space<vmem_shared>> -> memref<640x128xf32, #tpu.memory_space<vmem_shared>>
      %dma_start3A_340 = arith.constant 0 : i32
      %dma_start3A_341 = tpu.memref_slice %arg5[%mul3A_288, %dma_start3A_340] : memref<10240x128xf32, #tpu.memory_space<hbm>> -> memref<640x128xf32, #tpu.memory_space<hbm>>
      tpu.enqueue_dma source(%dma_start3A_341 : memref<640x128xf32, #tpu.memory_space<hbm>>) target(%dma_start3A_339 : memref<640x128xf32, #tpu.memory_space<vmem_shared>>) target_semaphore(%run_scoped3A : memref<!tpu.dma_semaphore, #tpu.memory_space<semaphore_mem>>)
      %dma_wait3A = arith.constant 0 : i32
      %dma_wait3A_342 = tpu.memref_slice %arg14[%mul3A_288, %dma_wait3A] : memref<10240x128xf32, #tpu.memory_space<vmem_shared>> -> memref<640x128xf32, #tpu.memory_space<vmem_shared>>
      %dma_wait3A_343 = arith.constant 0 : i32
      %dma_wait3A_344 = tpu.memref_slice %arg5[%mul3A_288, %dma_wait3A_343] : memref<10240x128xf32, #tpu.memory_space<hbm>> -> memref<640x128xf32, #tpu.memory_space<hbm>>
      tpu.wait_dma2 semaphore(%run_scoped3A : memref<!tpu.dma_semaphore, #tpu.memory_space<semaphore_mem>>) src(%dma_wait3A_344 : memref<640x128xf32, #tpu.memory_space<hbm>>) dst(%dma_wait3A_342 : memref<640x128xf32, #tpu.memory_space<vmem_shared>>)
      tpu.yield
    }) : () -> ()
    "tpu.region"() ({
      %run_scoped3A = tpu.sem_alloc : memref<!tpu.dma_semaphore, #tpu.memory_space<semaphore_mem>>
      %dma_start3A_338 = tpu.memref_slice %arg15[%mul3A_288] : memref<10240xf32, #tpu.memory_space<vmem_shared>> -> memref<640xf32, #tpu.memory_space<vmem_shared>>
      %dma_start3A_339 = tpu.memref_slice %arg15[%mul3A_288] : memref<10240xf32, #tpu.memory_space<vmem_shared>> -> memref<640xf32, #tpu.memory_space<vmem_shared>>
      tpu.enqueue_dma source(%arg13 : memref<640xf32, #tpu.memory_space<vmem>>) target(%dma_start3A_339 : memref<640xf32, #tpu.memory_space<vmem_shared>>) target_semaphore(%run_scoped3A : memref<!tpu.dma_semaphore, #tpu.memory_space<semaphore_mem>>)
      %dma_wait3A = tpu.memref_slice %arg15[%mul3A_288] : memref<10240xf32, #tpu.memory_space<vmem_shared>> -> memref<640xf32, #tpu.memory_space<vmem_shared>>
      %dma_wait3A_340 = tpu.memref_slice %arg15[%mul3A_288] : memref<10240xf32, #tpu.memory_space<vmem_shared>> -> memref<640xf32, #tpu.memory_space<vmem_shared>>
      tpu.wait_dma2 semaphore(%run_scoped3A : memref<!tpu.dma_semaphore, #tpu.memory_space<semaphore_mem>>) src(%arg13 : memref<640xf32, #tpu.memory_space<vmem>>) dst(%dma_wait3A_340 : memref<640xf32, #tpu.memory_space<vmem_shared>>)
      tpu.yield
    }) : () -> ()
    %barrier3A = arith.constant 0 : index
    tpu.barrier barrier_id(%barrier3A)
    %mul3A_289 = arith.constant 80 : i32
    %mul3A_290 = arith.muli %add3A, %mul3A_289 : i32
    %add3A_291 = arith.constant 0 : i32
    %add3A_292 = arith.addi %mul3A_290, %add3A_291 : i32
    "tpu.region"() ({
      %run_scoped3A = tpu.sem_alloc : memref<!tpu.dma_semaphore, #tpu.memory_space<semaphore_mem>>
      %dma_start3A_338 = arith.constant 0 : i32
      %dma_start3A_339 = tpu.memref_slice %arg3[%add3A_292, %dma_start3A_338] : memref<2560x128xi32, #tpu.memory_space<hbm>> -> memref<40x128xi32, #tpu.memory_space<hbm>>
      %dma_start3A_340 = arith.constant 0 : i32
      %dma_start3A_341 = tpu.memref_slice %arg3[%add3A_292, %dma_start3A_340] : memref<2560x128xi32, #tpu.memory_space<hbm>> -> memref<40x128xi32, #tpu.memory_space<hbm>>
      tpu.enqueue_dma source(%dma_start3A_341 : memref<40x128xi32, #tpu.memory_space<hbm>>) target(%arg10 : memref<40x128xi32, #tpu.memory_space<vmem>>) target_semaphore(%run_scoped3A : memref<!tpu.dma_semaphore, #tpu.memory_space<semaphore_mem>>)
      %dma_wait3A = arith.constant 0 : i32
      %dma_wait3A_342 = tpu.memref_slice %arg3[%add3A_292, %dma_wait3A] : memref<2560x128xi32, #tpu.memory_space<hbm>> -> memref<40x128xi32, #tpu.memory_space<hbm>>
      %dma_wait3A_343 = arith.constant 0 : i32
      %dma_wait3A_344 = tpu.memref_slice %arg3[%add3A_292, %dma_wait3A_343] : memref<2560x128xi32, #tpu.memory_space<hbm>> -> memref<40x128xi32, #tpu.memory_space<hbm>>
      tpu.wait_dma2 semaphore(%run_scoped3A : memref<!tpu.dma_semaphore, #tpu.memory_space<semaphore_mem>>) src(%dma_wait3A_344 : memref<40x128xi32, #tpu.memory_space<hbm>>) dst(%arg10 : memref<40x128xi32, #tpu.memory_space<vmem>>)
      tpu.yield
    }) : () -> ()
    %add3A_293 = arith.constant 0 : i32
    %add3A_294 = arith.addi %mul3A_290, %add3A_293 : i32
    "tpu.region"() ({
      %run_scoped3A = tpu.sem_alloc : memref<!tpu.dma_semaphore, #tpu.memory_space<semaphore_mem>>
      %dma_start3A_338 = arith.constant 0 : i32
      %dma_start3A_339 = tpu.memref_slice %arg4[%add3A_294, %dma_start3A_338] : memref<2560x128xi32, #tpu.memory_space<hbm>> -> memref<40x128xi32, #tpu.memory_space<hbm>>
      %dma_start3A_340 = arith.constant 0 : i32
      %dma_start3A_341 = tpu.memref_slice %arg4[%add3A_294, %dma_start3A_340] : memref<2560x128xi32, #tpu.memory_space<hbm>> -> memref<40x128xi32, #tpu.memory_space<hbm>>
      tpu.enqueue_dma source(%dma_start3A_341 : memref<40x128xi32, #tpu.memory_space<hbm>>) target(%arg11 : memref<40x128xi32, #tpu.memory_space<vmem>>) target_semaphore(%run_scoped3A : memref<!tpu.dma_semaphore, #tpu.memory_space<semaphore_mem>>)
      %dma_wait3A = arith.constant 0 : i32
      %dma_wait3A_342 = tpu.memref_slice %arg4[%add3A_294, %dma_wait3A] : memref<2560x128xi32, #tpu.memory_space<hbm>> -> memref<40x128xi32, #tpu.memory_space<hbm>>
      %dma_wait3A_343 = arith.constant 0 : i32
      %dma_wait3A_344 = tpu.memref_slice %arg4[%add3A_294, %dma_wait3A_343] : memref<2560x128xi32, #tpu.memory_space<hbm>> -> memref<40x128xi32, #tpu.memory_space<hbm>>
      tpu.wait_dma2 semaphore(%run_scoped3A : memref<!tpu.dma_semaphore, #tpu.memory_space<semaphore_mem>>) src(%dma_wait3A_344 : memref<40x128xi32, #tpu.memory_space<hbm>>) dst(%arg11 : memref<40x128xi32, #tpu.memory_space<vmem>>)
      tpu.yield
    }) : () -> ()
    %dma_start3A = arith.constant 0 : i32
    %dma_start3A_295 = arith.constant 0 : i32
    %dma_start3A_296 = tpu.memref_slice %arg10[%dma_start3A, %dma_start3A_295] : memref<40x128xi32, #tpu.memory_space<vmem>> -> memref<1x128xi32, #tpu.memory_space<vmem>>
    %dma_start3A_297 = tpu.memref_squeeze %dma_start3A_296 : memref<1x128xi32, #tpu.memory_space<vmem>> -> memref<128xi32, #tpu.memory_space<vmem>>
    %dma_start3A_298 = arith.constant 0 : i32
    %dma_start3A_299 = arith.constant 0 : i32
    %dma_start3A_300 = tpu.memref_slice %arg2[%dma_start3A_298, %dma_start3A_299] : memref<10000x128xf32, #tpu.memory_space<hbm>> -> memref<10000x128xf32, #tpu.memory_space<hbm>>
    tpu.enqueue_indirect_dma source(%dma_start3A_300 : memref<10000x128xf32, #tpu.memory_space<hbm>>) target(%arg8 : memref<128x128xf32, #tpu.memory_space<vmem>>) offsets(%dma_start3A_297 : memref<128xi32, #tpu.memory_space<vmem>>) semaphore(%arg16 : memref<!tpu.dma_semaphore, #tpu.memory_space<semaphore_mem>>)
    %dma_start3A_301 = arith.constant 1 : i32
    %dma_start3A_302 = arith.constant 0 : i32
    %dma_start3A_303 = tpu.memref_slice %arg10[%dma_start3A_301, %dma_start3A_302] : memref<40x128xi32, #tpu.memory_space<vmem>> -> memref<1x128xi32, #tpu.memory_space<vmem>>
    %dma_start3A_304 = tpu.memref_squeeze %dma_start3A_303 : memref<1x128xi32, #tpu.memory_space<vmem>> -> memref<128xi32, #tpu.memory_space<vmem>>
    %dma_start3A_305 = arith.constant 0 : i32
    %dma_start3A_306 = arith.constant 0 : i32
    %dma_start3A_307 = tpu.memref_slice %arg2[%dma_start3A_305, %dma_start3A_306] : memref<10000x128xf32, #tpu.memory_space<hbm>> -> memref<10000x128xf32, #tpu.memory_space<hbm>>
    tpu.enqueue_indirect_dma source(%dma_start3A_307 : memref<10000x128xf32, #tpu.memory_space<hbm>>) target(%arg9 : memref<128x128xf32, #tpu.memory_space<vmem>>) offsets(%dma_start3A_304 : memref<128xi32, #tpu.memory_space<vmem>>) semaphore(%arg17 : memref<!tpu.dma_semaphore, #tpu.memory_space<semaphore_mem>>)
    %scan3A = arith.constant 0 : i32
    %scan3A_308 = arith.constant 0 : i32
    %scan3A_309 = arith.constant 20 : i32
    %scan3A_310 = arith.addi %scan3A_308, %scan3A_309 : i32
    %scan3A_311 = arith.constant 1 : i32
    scf.for %scan3A_338 = %scan3A_308 to %scan3A_310 step %scan3A_311  : i32 {
      %mul3A_339 = arith.constant 2 : i32
      %mul3A_340 = arith.muli %mul3A_339, %scan3A_338 : i32
      %add3A_341 = arith.constant 0 : i32
      %add3A_342 = arith.addi %mul3A_340, %add3A_341 : i32
      %dma_wait3A = arith.constant 0 : i32
      %dma_wait3A_343 = arith.constant 0 : i32
      %dma_wait3A_344 = tpu.memref_slice %arg2[%dma_wait3A, %dma_wait3A_343] : memref<10000x128xf32, #tpu.memory_space<hbm>> -> memref<128x128xf32, #tpu.memory_space<hbm>>
      %dma_wait3A_345 = arith.constant 0 : i32
      %dma_wait3A_346 = arith.constant 0 : i32
      %dma_wait3A_347 = tpu.memref_slice %arg2[%dma_wait3A_345, %dma_wait3A_346] : memref<10000x128xf32, #tpu.memory_space<hbm>> -> memref<128x128xf32, #tpu.memory_space<hbm>>
      tpu.wait_dma2 semaphore(%arg16 : memref<!tpu.dma_semaphore, #tpu.memory_space<semaphore_mem>>) src(%dma_wait3A_347 : memref<128x128xf32, #tpu.memory_space<hbm>>) dst(%arg8 : memref<128x128xf32, #tpu.memory_space<vmem>>)
      "tpu.region"() ({
        %run_scoped3A = tpu.sem_alloc : memref<!tpu.dma_semaphore, #tpu.memory_space<semaphore_mem>>
        %dma_start3A_369 = arith.constant 0 : i32
        %dma_start3A_370 = tpu.memref_slice %arg11[%add3A_342, %dma_start3A_369] : memref<40x128xi32, #tpu.memory_space<vmem>> -> memref<1x128xi32, #tpu.memory_space<vmem>>
        %dma_start3A_371 = tpu.memref_squeeze %dma_start3A_370 : memref<1x128xi32, #tpu.memory_space<vmem>> -> memref<128xi32, #tpu.memory_space<vmem>>
        %dma_start3A_372 = arith.constant 0 : i32
        %dma_start3A_373 = arith.constant 0 : i32
        %dma_start3A_374 = tpu.memref_slice %arg14[%dma_start3A_372, %dma_start3A_373] : memref<10240x128xf32, #tpu.memory_space<vmem_shared>> -> memref<10240x128xf32, #tpu.memory_space<vmem_shared>>
        tpu.enqueue_indirect_dma source(%arg8 : memref<128x128xf32, #tpu.memory_space<vmem>>) target(%dma_start3A_374 : memref<10240x128xf32, #tpu.memory_space<vmem_shared>>) offsets(%dma_start3A_371 : memref<128xi32, #tpu.memory_space<vmem>>) semaphore(%run_scoped3A : memref<!tpu.dma_semaphore, #tpu.memory_space<semaphore_mem>>) {add = true}
        %dma_wait3A_375 = arith.constant 0 : i32
        %dma_wait3A_376 = tpu.memref_slice %arg11[%add3A_342, %dma_wait3A_375] : memref<40x128xi32, #tpu.memory_space<vmem>> -> memref<1x128xi32, #tpu.memory_space<vmem>>
        %dma_wait3A_377 = tpu.memref_squeeze %dma_wait3A_376 : memref<1x128xi32, #tpu.memory_space<vmem>> -> memref<128xi32, #tpu.memory_space<vmem>>
        %dma_wait3A_378 = arith.constant 0 : i32
        %dma_wait3A_379 = arith.constant 0 : i32
        %dma_wait3A_380 = tpu.memref_slice %arg14[%dma_wait3A_378, %dma_wait3A_379] : memref<10240x128xf32, #tpu.memory_space<vmem_shared>> -> memref<10240x128xf32, #tpu.memory_space<vmem_shared>>
        tpu.wait_indirect_dma semaphore(%run_scoped3A : memref<!tpu.dma_semaphore, #tpu.memory_space<semaphore_mem>>) src(%arg8 : memref<128x128xf32, #tpu.memory_space<vmem>>) dst(%dma_wait3A_380 : memref<10240x128xf32, #tpu.memory_space<vmem_shared>>)
        tpu.yield
      }) : () -> ()
      "tpu.region"() ({
        %run_scoped3A = tpu.sem_alloc : memref<!tpu.dma_semaphore, #tpu.memory_space<semaphore_mem>>
        %dma_start3A_369 = arith.constant 0 : i32
        %dma_start3A_370 = tpu.memref_slice %arg11[%add3A_342, %dma_start3A_369] : memref<40x128xi32, #tpu.memory_space<vmem>> -> memref<1x128xi32, #tpu.memory_space<vmem>>
        %dma_start3A_371 = tpu.memref_squeeze %dma_start3A_370 : memref<1x128xi32, #tpu.memory_space<vmem>> -> memref<128xi32, #tpu.memory_space<vmem>>
        %dma_start3A_372 = arith.constant 0 : i32
        %dma_start3A_373 = tpu.memref_slice %arg15[%dma_start3A_372] : memref<10240xf32, #tpu.memory_space<vmem_shared>> -> memref<10240xf32, #tpu.memory_space<vmem_shared>>
        tpu.enqueue_indirect_dma source(%arg12 : memref<128xf32, #tpu.memory_space<vmem>>) target(%dma_start3A_373 : memref<10240xf32, #tpu.memory_space<vmem_shared>>) offsets(%dma_start3A_371 : memref<128xi32, #tpu.memory_space<vmem>>) semaphore(%run_scoped3A : memref<!tpu.dma_semaphore, #tpu.memory_space<semaphore_mem>>) {add = true}
        %dma_wait3A_374 = arith.constant 0 : i32
        %dma_wait3A_375 = tpu.memref_slice %arg11[%add3A_342, %dma_wait3A_374] : memref<40x128xi32, #tpu.memory_space<vmem>> -> memref<1x128xi32, #tpu.memory_space<vmem>>
        %dma_wait3A_376 = tpu.memref_squeeze %dma_wait3A_375 : memref<1x128xi32, #tpu.memory_space<vmem>> -> memref<128xi32, #tpu.memory_space<vmem>>
        %dma_wait3A_377 = arith.constant 0 : i32
        %dma_wait3A_378 = tpu.memref_slice %arg15[%dma_wait3A_377] : memref<10240xf32, #tpu.memory_space<vmem_shared>> -> memref<10240xf32, #tpu.memory_space<vmem_shared>>
        tpu.wait_indirect_dma semaphore(%run_scoped3A : memref<!tpu.dma_semaphore, #tpu.memory_space<semaphore_mem>>) src(%arg12 : memref<128xf32, #tpu.memory_space<vmem>>) dst(%dma_wait3A_378 : memref<10240xf32, #tpu.memory_space<vmem_shared>>)
        tpu.yield
      }) : () -> ()
      %add3A_348 = arith.constant 2 : i32
      %add3A_349 = arith.addi %add3A_342, %add3A_348 : i32
      %lt3A = arith.constant 40 : i32
      %lt3A_350 = arith.cmpi slt, %add3A_349, %lt3A : i32
      %convert_element_type3A = arith.extui %lt3A_350 : i1 to i32
      %cond3A = arith.constant 0 : i32
      %cond3A_351 = arith.cmpi ne, %convert_element_type3A, %cond3A : i32
      scf.if %cond3A_351 {
        %add3A_369 = arith.constant 2 : i32
        %add3A_370 = arith.addi %add3A_342, %add3A_369 : i32
        %dma_start3A_371 = arith.constant 0 : i32
        %dma_start3A_372 = tpu.memref_slice %arg10[%add3A_370, %dma_start3A_371] : memref<40x128xi32, #tpu.memory_space<vmem>> -> memref<1x128xi32, #tpu.memory_space<vmem>>
        %dma_start3A_373 = tpu.memref_squeeze %dma_start3A_372 : memref<1x128xi32, #tpu.memory_space<vmem>> -> memref<128xi32, #tpu.memory_space<vmem>>
        %dma_start3A_374 = arith.constant 0 : i32
        %dma_start3A_375 = arith.constant 0 : i32
        %dma_start3A_376 = tpu.memref_slice %arg2[%dma_start3A_374, %dma_start3A_375] : memref<10000x128xf32, #tpu.memory_space<hbm>> -> memref<10000x128xf32, #tpu.memory_space<hbm>>
        tpu.enqueue_indirect_dma source(%dma_start3A_376 : memref<10000x128xf32, #tpu.memory_space<hbm>>) target(%arg8 : memref<128x128xf32, #tpu.memory_space<vmem>>) offsets(%dma_start3A_373 : memref<128xi32, #tpu.memory_space<vmem>>) semaphore(%arg16 : memref<!tpu.dma_semaphore, #tpu.memory_space<semaphore_mem>>)
      } else {
      }
      %mul3A_352 = arith.constant 2 : i32
      %mul3A_353 = arith.muli %mul3A_352, %scan3A_338 : i32
      %add3A_354 = arith.constant 1 : i32
      %add3A_355 = arith.addi %mul3A_353, %add3A_354 : i32
      %dma_wait3A_356 = arith.constant 0 : i32
      %dma_wait3A_357 = arith.constant 0 : i32
      %dma_wait3A_358 = tpu.memref_slice %arg2[%dma_wait3A_356, %dma_wait3A_357] : memref<10000x128xf32, #tpu.memory_space<hbm>> -> memref<128x128xf32, #tpu.memory_space<hbm>>
      %dma_wait3A_359 = arith.constant 0 : i32
      %dma_wait3A_360 = arith.constant 0 : i32
      %dma_wait3A_361 = tpu.memref_slice %arg2[%dma_wait3A_359, %dma_wait3A_360] : memref<10000x128xf32, #tpu.memory_space<hbm>> -> memref<128x128xf32, #tpu.memory_space<hbm>>
      tpu.wait_dma2 semaphore(%arg17 : memref<!tpu.dma_semaphore, #tpu.memory_space<semaphore_mem>>) src(%dma_wait3A_361 : memref<128x128xf32, #tpu.memory_space<hbm>>) dst(%arg9 : memref<128x128xf32, #tpu.memory_space<vmem>>)
      "tpu.region"() ({
        %run_scoped3A = tpu.sem_alloc : memref<!tpu.dma_semaphore, #tpu.memory_space<semaphore_mem>>
        %dma_start3A_369 = arith.constant 0 : i32
        %dma_start3A_370 = tpu.memref_slice %arg11[%add3A_355, %dma_start3A_369] : memref<40x128xi32, #tpu.memory_space<vmem>> -> memref<1x128xi32, #tpu.memory_space<vmem>>
        %dma_start3A_371 = tpu.memref_squeeze %dma_start3A_370 : memref<1x128xi32, #tpu.memory_space<vmem>> -> memref<128xi32, #tpu.memory_space<vmem>>
        %dma_start3A_372 = arith.constant 0 : i32
        %dma_start3A_373 = arith.constant 0 : i32
        %dma_start3A_374 = tpu.memref_slice %arg14[%dma_start3A_372, %dma_start3A_373] : memref<10240x128xf32, #tpu.memory_space<vmem_shared>> -> memref<10240x128xf32, #tpu.memory_space<vmem_shared>>
        tpu.enqueue_indirect_dma source(%arg9 : memref<128x128xf32, #tpu.memory_space<vmem>>) target(%dma_start3A_374 : memref<10240x128xf32, #tpu.memory_space<vmem_shared>>) offsets(%dma_start3A_371 : memref<128xi32, #tpu.memory_space<vmem>>) semaphore(%run_scoped3A : memref<!tpu.dma_semaphore, #tpu.memory_space<semaphore_mem>>) {add = true}
        %dma_wait3A_375 = arith.constant 0 : i32
        %dma_wait3A_376 = tpu.memref_slice %arg11[%add3A_355, %dma_wait3A_375] : memref<40x128xi32, #tpu.memory_space<vmem>> -> memref<1x128xi32, #tpu.memory_space<vmem>>
        %dma_wait3A_377 = tpu.memref_squeeze %dma_wait3A_376 : memref<1x128xi32, #tpu.memory_space<vmem>> -> memref<128xi32, #tpu.memory_space<vmem>>
        %dma_wait3A_378 = arith.constant 0 : i32
        %dma_wait3A_379 = arith.constant 0 : i32
        %dma_wait3A_380 = tpu.memref_slice %arg14[%dma_wait3A_378, %dma_wait3A_379] : memref<10240x128xf32, #tpu.memory_space<vmem_shared>> -> memref<10240x128xf32, #tpu.memory_space<vmem_shared>>
        tpu.wait_indirect_dma semaphore(%run_scoped3A : memref<!tpu.dma_semaphore, #tpu.memory_space<semaphore_mem>>) src(%arg9 : memref<128x128xf32, #tpu.memory_space<vmem>>) dst(%dma_wait3A_380 : memref<10240x128xf32, #tpu.memory_space<vmem_shared>>)
        tpu.yield
      }) : () -> ()
      "tpu.region"() ({
        %run_scoped3A = tpu.sem_alloc : memref<!tpu.dma_semaphore, #tpu.memory_space<semaphore_mem>>
        %dma_start3A_369 = arith.constant 0 : i32
        %dma_start3A_370 = tpu.memref_slice %arg11[%add3A_355, %dma_start3A_369] : memref<40x128xi32, #tpu.memory_space<vmem>> -> memref<1x128xi32, #tpu.memory_space<vmem>>
        %dma_start3A_371 = tpu.memref_squeeze %dma_start3A_370 : memref<1x128xi32, #tpu.memory_space<vmem>> -> memref<128xi32, #tpu.memory_space<vmem>>
        %dma_start3A_372 = arith.constant 0 : i32
        %dma_start3A_373 = tpu.memref_slice %arg15[%dma_start3A_372] : memref<10240xf32, #tpu.memory_space<vmem_shared>> -> memref<10240xf32, #tpu.memory_space<vmem_shared>>
        tpu.enqueue_indirect_dma source(%arg12 : memref<128xf32, #tpu.memory_space<vmem>>) target(%dma_start3A_373 : memref<10240xf32, #tpu.memory_space<vmem_shared>>) offsets(%dma_start3A_371 : memref<128xi32, #tpu.memory_space<vmem>>) semaphore(%run_scoped3A : memref<!tpu.dma_semaphore, #tpu.memory_space<semaphore_mem>>) {add = true}
        %dma_wait3A_374 = arith.constant 0 : i32
        %dma_wait3A_375 = tpu.memref_slice %arg11[%add3A_355, %dma_wait3A_374] : memref<40x128xi32, #tpu.memory_space<vmem>> -> memref<1x128xi32, #tpu.memory_space<vmem>>
        %dma_wait3A_376 = tpu.memref_squeeze %dma_wait3A_375 : memref<1x128xi32, #tpu.memory_space<vmem>> -> memref<128xi32, #tpu.memory_space<vmem>>
        %dma_wait3A_377 = arith.constant 0 : i32
        %dma_wait3A_378 = tpu.memref_slice %arg15[%dma_wait3A_377] : memref<10240xf32, #tpu.memory_space<vmem_shared>> -> memref<10240xf32, #tpu.memory_space<vmem_shared>>
        tpu.wait_indirect_dma semaphore(%run_scoped3A : memref<!tpu.dma_semaphore, #tpu.memory_space<semaphore_mem>>) src(%arg12 : memref<128xf32, #tpu.memory_space<vmem>>) dst(%dma_wait3A_378 : memref<10240xf32, #tpu.memory_space<vmem_shared>>)
        tpu.yield
      }) : () -> ()
      %add3A_362 = arith.constant 2 : i32
      %add3A_363 = arith.addi %add3A_355, %add3A_362 : i32
      %lt3A_364 = arith.constant 40 : i32
      %lt3A_365 = arith.cmpi slt, %add3A_363, %lt3A_364 : i32
      %convert_element_type3A_366 = arith.extui %lt3A_365 : i1 to i32
      %cond3A_367 = arith.constant 0 : i32
      %cond3A_368 = arith.cmpi ne, %convert_element_type3A_366, %cond3A_367 : i32
      scf.if %cond3A_368 {
        %add3A_369 = arith.constant 2 : i32
        %add3A_370 = arith.addi %add3A_355, %add3A_369 : i32
        %dma_start3A_371 = arith.constant 0 : i32
        %dma_start3A_372 = tpu.memref_slice %arg10[%add3A_370, %dma_start3A_371] : memref<40x128xi32, #tpu.memory_space<vmem>> -> memref<1x128xi32, #tpu.memory_space<vmem>>
        %dma_start3A_373 = tpu.memref_squeeze %dma_start3A_372 : memref<1x128xi32, #tpu.memory_space<vmem>> -> memref<128xi32, #tpu.memory_space<vmem>>
        %dma_start3A_374 = arith.constant 0 : i32
        %dma_start3A_375 = arith.constant 0 : i32
        %dma_start3A_376 = tpu.memref_slice %arg2[%dma_start3A_374, %dma_start3A_375] : memref<10000x128xf32, #tpu.memory_space<hbm>> -> memref<10000x128xf32, #tpu.memory_space<hbm>>
        tpu.enqueue_indirect_dma source(%dma_start3A_376 : memref<10000x128xf32, #tpu.memory_space<hbm>>) target(%arg9 : memref<128x128xf32, #tpu.memory_space<vmem>>) offsets(%dma_start3A_373 : memref<128xi32, #tpu.memory_space<vmem>>) semaphore(%arg17 : memref<!tpu.dma_semaphore, #tpu.memory_space<semaphore_mem>>)
      } else {
      }
    }
    %scan3A_312 = arith.constant 20 : i32
    %add3A_313 = arith.constant 40 : i32
    %add3A_314 = arith.addi %mul3A_290, %add3A_313 : i32
    "tpu.region"() ({
      %run_scoped3A = tpu.sem_alloc : memref<!tpu.dma_semaphore, #tpu.memory_space<semaphore_mem>>
      %dma_start3A_338 = arith.constant 0 : i32
      %dma_start3A_339 = tpu.memref_slice %arg3[%add3A_314, %dma_start3A_338] : memref<2560x128xi32, #tpu.memory_space<hbm>> -> memref<40x128xi32, #tpu.memory_space<hbm>>
      %dma_start3A_340 = arith.constant 0 : i32
      %dma_start3A_341 = tpu.memref_slice %arg3[%add3A_314, %dma_start3A_340] : memref<2560x128xi32, #tpu.memory_space<hbm>> -> memref<40x128xi32, #tpu.memory_space<hbm>>
      tpu.enqueue_dma source(%dma_start3A_341 : memref<40x128xi32, #tpu.memory_space<hbm>>) target(%arg10 : memref<40x128xi32, #tpu.memory_space<vmem>>) target_semaphore(%run_scoped3A : memref<!tpu.dma_semaphore, #tpu.memory_space<semaphore_mem>>)
      %dma_wait3A = arith.constant 0 : i32
      %dma_wait3A_342 = tpu.memref_slice %arg3[%add3A_314, %dma_wait3A] : memref<2560x128xi32, #tpu.memory_space<hbm>> -> memref<40x128xi32, #tpu.memory_space<hbm>>
      %dma_wait3A_343 = arith.constant 0 : i32
      %dma_wait3A_344 = tpu.memref_slice %arg3[%add3A_314, %dma_wait3A_343] : memref<2560x128xi32, #tpu.memory_space<hbm>> -> memref<40x128xi32, #tpu.memory_space<hbm>>
      tpu.wait_dma2 semaphore(%run_scoped3A : memref<!tpu.dma_semaphore, #tpu.memory_space<semaphore_mem>>) src(%dma_wait3A_344 : memref<40x128xi32, #tpu.memory_space<hbm>>) dst(%arg10 : memref<40x128xi32, #tpu.memory_space<vmem>>)
      tpu.yield
    }) : () -> ()
    %add3A_315 = arith.constant 40 : i32
    %add3A_316 = arith.addi %mul3A_290, %add3A_315 : i32
    "tpu.region"() ({
      %run_scoped3A = tpu.sem_alloc : memref<!tpu.dma_semaphore, #tpu.memory_space<semaphore_mem>>
      %dma_start3A_338 = arith.constant 0 : i32
      %dma_start3A_339 = tpu.memref_slice %arg4[%add3A_316, %dma_start3A_338] : memref<2560x128xi32, #tpu.memory_space<hbm>> -> memref<40x128xi32, #tpu.memory_space<hbm>>
      %dma_start3A_340 = arith.constant 0 : i32
      %dma_start3A_341 = tpu.memref_slice %arg4[%add3A_316, %dma_start3A_340] : memref<2560x128xi32, #tpu.memory_space<hbm>> -> memref<40x128xi32, #tpu.memory_space<hbm>>
      tpu.enqueue_dma source(%dma_start3A_341 : memref<40x128xi32, #tpu.memory_space<hbm>>) target(%arg11 : memref<40x128xi32, #tpu.memory_space<vmem>>) target_semaphore(%run_scoped3A : memref<!tpu.dma_semaphore, #tpu.memory_space<semaphore_mem>>)
      %dma_wait3A = arith.constant 0 : i32
      %dma_wait3A_342 = tpu.memref_slice %arg4[%add3A_316, %dma_wait3A] : memref<2560x128xi32, #tpu.memory_space<hbm>> -> memref<40x128xi32, #tpu.memory_space<hbm>>
      %dma_wait3A_343 = arith.constant 0 : i32
      %dma_wait3A_344 = tpu.memref_slice %arg4[%add3A_316, %dma_wait3A_343] : memref<2560x128xi32, #tpu.memory_space<hbm>> -> memref<40x128xi32, #tpu.memory_space<hbm>>
      tpu.wait_dma2 semaphore(%run_scoped3A : memref<!tpu.dma_semaphore, #tpu.memory_space<semaphore_mem>>) src(%dma_wait3A_344 : memref<40x128xi32, #tpu.memory_space<hbm>>) dst(%arg11 : memref<40x128xi32, #tpu.memory_space<vmem>>)
      tpu.yield
    }) : () -> ()
    %dma_start3A_317 = arith.constant 0 : i32
    %dma_start3A_318 = arith.constant 0 : i32
    %dma_start3A_319 = tpu.memref_slice %arg10[%dma_start3A_317, %dma_start3A_318] : memref<40x128xi32, #tpu.memory_space<vmem>> -> memref<1x128xi32, #tpu.memory_space<vmem>>
    %dma_start3A_320 = tpu.memref_squeeze %dma_start3A_319 : memref<1x128xi32, #tpu.memory_space<vmem>> -> memref<128xi32, #tpu.memory_space<vmem>>
    %dma_start3A_321 = arith.constant 0 : i32
    %dma_start3A_322 = arith.constant 0 : i32
    %dma_start3A_323 = tpu.memref_slice %arg2[%dma_start3A_321, %dma_start3A_322] : memref<10000x128xf32, #tpu.memory_space<hbm>> -> memref<10000x128xf32, #tpu.memory_space<hbm>>
    tpu.enqueue_indirect_dma source(%dma_start3A_323 : memref<10000x128xf32, #tpu.memory_space<hbm>>) target(%arg8 : memref<128x128xf32, #tpu.memory_space<vmem>>) offsets(%dma_start3A_320 : memref<128xi32, #tpu.memory_space<vmem>>) semaphore(%arg16 : memref<!tpu.dma_semaphore, #tpu.memory_space<semaphore_mem>>)
    %dma_start3A_324 = arith.constant 1 : i32
    %dma_start3A_325 = arith.constant 0 : i32
    %dma_start3A_326 = tpu.memref_slice %arg10[%dma_start3A_324, %dma_start3A_325] : memref<40x128xi32, #tpu.memory_space<vmem>> -> memref<1x128xi32, #tpu.memory_space<vmem>>
    %dma_start3A_327 = tpu.memref_squeeze %dma_start3A_326 : memref<1x128xi32, #tpu.memory_space<vmem>> -> memref<128xi32, #tpu.memory_space<vmem>>
    %dma_start3A_328 = arith.constant 0 : i32
    %dma_start3A_329 = arith.constant 0 : i32
    %dma_start3A_330 = tpu.memref_slice %arg2[%dma_start3A_328, %dma_start3A_329] : memref<10000x128xf32, #tpu.memory_space<hbm>> -> memref<10000x128xf32, #tpu.memory_space<hbm>>
    tpu.enqueue_indirect_dma source(%dma_start3A_330 : memref<10000x128xf32, #tpu.memory_space<hbm>>) target(%arg9 : memref<128x128xf32, #tpu.memory_space<vmem>>) offsets(%dma_start3A_327 : memref<128xi32, #tpu.memory_space<vmem>>) semaphore(%arg17 : memref<!tpu.dma_semaphore, #tpu.memory_space<semaphore_mem>>)
    %scan3A_331 = arith.constant 0 : i32
    %scan3A_332 = arith.constant 0 : i32
    %scan3A_333 = arith.constant 20 : i32
    %scan3A_334 = arith.addi %scan3A_332, %scan3A_333 : i32
    %scan3A_335 = arith.constant 1 : i32
    scf.for %scan3A_338 = %scan3A_332 to %scan3A_334 step %scan3A_335  : i32 {
      %mul3A_339 = arith.constant 2 : i32
      %mul3A_340 = arith.muli %mul3A_339, %scan3A_338 : i32
      %add3A_341 = arith.constant 0 : i32
      %add3A_342 = arith.addi %mul3A_340, %add3A_341 : i32
      %dma_wait3A = arith.constant 0 : i32
      %dma_wait3A_343 = arith.constant 0 : i32
      %dma_wait3A_344 = tpu.memref_slice %arg2[%dma_wait3A, %dma_wait3A_343] : memref<10000x128xf32, #tpu.memory_space<hbm>> -> memref<128x128xf32, #tpu.memory_space<hbm>>
      %dma_wait3A_345 = arith.constant 0 : i32
      %dma_wait3A_346 = arith.constant 0 : i32
      %dma_wait3A_347 = tpu.memref_slice %arg2[%dma_wait3A_345, %dma_wait3A_346] : memref<10000x128xf32, #tpu.memory_space<hbm>> -> memref<128x128xf32, #tpu.memory_space<hbm>>
      tpu.wait_dma2 semaphore(%arg16 : memref<!tpu.dma_semaphore, #tpu.memory_space<semaphore_mem>>) src(%dma_wait3A_347 : memref<128x128xf32, #tpu.memory_space<hbm>>) dst(%arg8 : memref<128x128xf32, #tpu.memory_space<vmem>>)
      "tpu.region"() ({
        %run_scoped3A = tpu.sem_alloc : memref<!tpu.dma_semaphore, #tpu.memory_space<semaphore_mem>>
        %dma_start3A_369 = arith.constant 0 : i32
        %dma_start3A_370 = tpu.memref_slice %arg11[%add3A_342, %dma_start3A_369] : memref<40x128xi32, #tpu.memory_space<vmem>> -> memref<1x128xi32, #tpu.memory_space<vmem>>
        %dma_start3A_371 = tpu.memref_squeeze %dma_start3A_370 : memref<1x128xi32, #tpu.memory_space<vmem>> -> memref<128xi32, #tpu.memory_space<vmem>>
        %dma_start3A_372 = arith.constant 0 : i32
        %dma_start3A_373 = arith.constant 0 : i32
        %dma_start3A_374 = tpu.memref_slice %arg14[%dma_start3A_372, %dma_start3A_373] : memref<10240x128xf32, #tpu.memory_space<vmem_shared>> -> memref<10240x128xf32, #tpu.memory_space<vmem_shared>>
        tpu.enqueue_indirect_dma source(%arg8 : memref<128x128xf32, #tpu.memory_space<vmem>>) target(%dma_start3A_374 : memref<10240x128xf32, #tpu.memory_space<vmem_shared>>) offsets(%dma_start3A_371 : memref<128xi32, #tpu.memory_space<vmem>>) semaphore(%run_scoped3A : memref<!tpu.dma_semaphore, #tpu.memory_space<semaphore_mem>>) {add = true}
        %dma_wait3A_375 = arith.constant 0 : i32
        %dma_wait3A_376 = tpu.memref_slice %arg11[%add3A_342, %dma_wait3A_375] : memref<40x128xi32, #tpu.memory_space<vmem>> -> memref<1x128xi32, #tpu.memory_space<vmem>>
        %dma_wait3A_377 = tpu.memref_squeeze %dma_wait3A_376 : memref<1x128xi32, #tpu.memory_space<vmem>> -> memref<128xi32, #tpu.memory_space<vmem>>
        %dma_wait3A_378 = arith.constant 0 : i32
        %dma_wait3A_379 = arith.constant 0 : i32
        %dma_wait3A_380 = tpu.memref_slice %arg14[%dma_wait3A_378, %dma_wait3A_379] : memref<10240x128xf32, #tpu.memory_space<vmem_shared>> -> memref<10240x128xf32, #tpu.memory_space<vmem_shared>>
        tpu.wait_indirect_dma semaphore(%run_scoped3A : memref<!tpu.dma_semaphore, #tpu.memory_space<semaphore_mem>>) src(%arg8 : memref<128x128xf32, #tpu.memory_space<vmem>>) dst(%dma_wait3A_380 : memref<10240x128xf32, #tpu.memory_space<vmem_shared>>)
        tpu.yield
      }) : () -> ()
      "tpu.region"() ({
        %run_scoped3A = tpu.sem_alloc : memref<!tpu.dma_semaphore, #tpu.memory_space<semaphore_mem>>
        %dma_start3A_369 = arith.constant 0 : i32
        %dma_start3A_370 = tpu.memref_slice %arg11[%add3A_342, %dma_start3A_369] : memref<40x128xi32, #tpu.memory_space<vmem>> -> memref<1x128xi32, #tpu.memory_space<vmem>>
        %dma_start3A_371 = tpu.memref_squeeze %dma_start3A_370 : memref<1x128xi32, #tpu.memory_space<vmem>> -> memref<128xi32, #tpu.memory_space<vmem>>
        %dma_start3A_372 = arith.constant 0 : i32
        %dma_start3A_373 = tpu.memref_slice %arg15[%dma_start3A_372] : memref<10240xf32, #tpu.memory_space<vmem_shared>> -> memref<10240xf32, #tpu.memory_space<vmem_shared>>
        tpu.enqueue_indirect_dma source(%arg12 : memref<128xf32, #tpu.memory_space<vmem>>) target(%dma_start3A_373 : memref<10240xf32, #tpu.memory_space<vmem_shared>>) offsets(%dma_start3A_371 : memref<128xi32, #tpu.memory_space<vmem>>) semaphore(%run_scoped3A : memref<!tpu.dma_semaphore, #tpu.memory_space<semaphore_mem>>) {add = true}
        %dma_wait3A_374 = arith.constant 0 : i32
        %dma_wait3A_375 = tpu.memref_slice %arg11[%add3A_342, %dma_wait3A_374] : memref<40x128xi32, #tpu.memory_space<vmem>> -> memref<1x128xi32, #tpu.memory_space<vmem>>
        %dma_wait3A_376 = tpu.memref_squeeze %dma_wait3A_375 : memref<1x128xi32, #tpu.memory_space<vmem>> -> memref<128xi32, #tpu.memory_space<vmem>>
        %dma_wait3A_377 = arith.constant 0 : i32
        %dma_wait3A_378 = tpu.memref_slice %arg15[%dma_wait3A_377] : memref<10240xf32, #tpu.memory_space<vmem_shared>> -> memref<10240xf32, #tpu.memory_space<vmem_shared>>
        tpu.wait_indirect_dma semaphore(%run_scoped3A : memref<!tpu.dma_semaphore, #tpu.memory_space<semaphore_mem>>) src(%arg12 : memref<128xf32, #tpu.memory_space<vmem>>) dst(%dma_wait3A_378 : memref<10240xf32, #tpu.memory_space<vmem_shared>>)
        tpu.yield
      }) : () -> ()
      %add3A_348 = arith.constant 2 : i32
      %add3A_349 = arith.addi %add3A_342, %add3A_348 : i32
      %lt3A = arith.constant 40 : i32
      %lt3A_350 = arith.cmpi slt, %add3A_349, %lt3A : i32
      %convert_element_type3A = arith.extui %lt3A_350 : i1 to i32
      %cond3A = arith.constant 0 : i32
      %cond3A_351 = arith.cmpi ne, %convert_element_type3A, %cond3A : i32
      scf.if %cond3A_351 {
        %add3A_369 = arith.constant 2 : i32
        %add3A_370 = arith.addi %add3A_342, %add3A_369 : i32
        %dma_start3A_371 = arith.constant 0 : i32
        %dma_start3A_372 = tpu.memref_slice %arg10[%add3A_370, %dma_start3A_371] : memref<40x128xi32, #tpu.memory_space<vmem>> -> memref<1x128xi32, #tpu.memory_space<vmem>>
        %dma_start3A_373 = tpu.memref_squeeze %dma_start3A_372 : memref<1x128xi32, #tpu.memory_space<vmem>> -> memref<128xi32, #tpu.memory_space<vmem>>
        %dma_start3A_374 = arith.constant 0 : i32
        %dma_start3A_375 = arith.constant 0 : i32
        %dma_start3A_376 = tpu.memref_slice %arg2[%dma_start3A_374, %dma_start3A_375] : memref<10000x128xf32, #tpu.memory_space<hbm>> -> memref<10000x128xf32, #tpu.memory_space<hbm>>
        tpu.enqueue_indirect_dma source(%dma_start3A_376 : memref<10000x128xf32, #tpu.memory_space<hbm>>) target(%arg8 : memref<128x128xf32, #tpu.memory_space<vmem>>) offsets(%dma_start3A_373 : memref<128xi32, #tpu.memory_space<vmem>>) semaphore(%arg16 : memref<!tpu.dma_semaphore, #tpu.memory_space<semaphore_mem>>)
      } else {
      }
      %mul3A_352 = arith.constant 2 : i32
      %mul3A_353 = arith.muli %mul3A_352, %scan3A_338 : i32
      %add3A_354 = arith.constant 1 : i32
      %add3A_355 = arith.addi %mul3A_353, %add3A_354 : i32
      %dma_wait3A_356 = arith.constant 0 : i32
      %dma_wait3A_357 = arith.constant 0 : i32
      %dma_wait3A_358 = tpu.memref_slice %arg2[%dma_wait3A_356, %dma_wait3A_357] : memref<10000x128xf32, #tpu.memory_space<hbm>> -> memref<128x128xf32, #tpu.memory_space<hbm>>
      %dma_wait3A_359 = arith.constant 0 : i32
      %dma_wait3A_360 = arith.constant 0 : i32
      %dma_wait3A_361 = tpu.memref_slice %arg2[%dma_wait3A_359, %dma_wait3A_360] : memref<10000x128xf32, #tpu.memory_space<hbm>> -> memref<128x128xf32, #tpu.memory_space<hbm>>
      tpu.wait_dma2 semaphore(%arg17 : memref<!tpu.dma_semaphore, #tpu.memory_space<semaphore_mem>>) src(%dma_wait3A_361 : memref<128x128xf32, #tpu.memory_space<hbm>>) dst(%arg9 : memref<128x128xf32, #tpu.memory_space<vmem>>)
      "tpu.region"() ({
        %run_scoped3A = tpu.sem_alloc : memref<!tpu.dma_semaphore, #tpu.memory_space<semaphore_mem>>
        %dma_start3A_369 = arith.constant 0 : i32
        %dma_start3A_370 = tpu.memref_slice %arg11[%add3A_355, %dma_start3A_369] : memref<40x128xi32, #tpu.memory_space<vmem>> -> memref<1x128xi32, #tpu.memory_space<vmem>>
        %dma_start3A_371 = tpu.memref_squeeze %dma_start3A_370 : memref<1x128xi32, #tpu.memory_space<vmem>> -> memref<128xi32, #tpu.memory_space<vmem>>
        %dma_start3A_372 = arith.constant 0 : i32
        %dma_start3A_373 = arith.constant 0 : i32
        %dma_start3A_374 = tpu.memref_slice %arg14[%dma_start3A_372, %dma_start3A_373] : memref<10240x128xf32, #tpu.memory_space<vmem_shared>> -> memref<10240x128xf32, #tpu.memory_space<vmem_shared>>
        tpu.enqueue_indirect_dma source(%arg9 : memref<128x128xf32, #tpu.memory_space<vmem>>) target(%dma_start3A_374 : memref<10240x128xf32, #tpu.memory_space<vmem_shared>>) offsets(%dma_start3A_371 : memref<128xi32, #tpu.memory_space<vmem>>) semaphore(%run_scoped3A : memref<!tpu.dma_semaphore, #tpu.memory_space<semaphore_mem>>) {add = true}
        %dma_wait3A_375 = arith.constant 0 : i32
        %dma_wait3A_376 = tpu.memref_slice %arg11[%add3A_355, %dma_wait3A_375] : memref<40x128xi32, #tpu.memory_space<vmem>> -> memref<1x128xi32, #tpu.memory_space<vmem>>
        %dma_wait3A_377 = tpu.memref_squeeze %dma_wait3A_376 : memref<1x128xi32, #tpu.memory_space<vmem>> -> memref<128xi32, #tpu.memory_space<vmem>>
        %dma_wait3A_378 = arith.constant 0 : i32
        %dma_wait3A_379 = arith.constant 0 : i32
        %dma_wait3A_380 = tpu.memref_slice %arg14[%dma_wait3A_378, %dma_wait3A_379] : memref<10240x128xf32, #tpu.memory_space<vmem_shared>> -> memref<10240x128xf32, #tpu.memory_space<vmem_shared>>
        tpu.wait_indirect_dma semaphore(%run_scoped3A : memref<!tpu.dma_semaphore, #tpu.memory_space<semaphore_mem>>) src(%arg9 : memref<128x128xf32, #tpu.memory_space<vmem>>) dst(%dma_wait3A_380 : memref<10240x128xf32, #tpu.memory_space<vmem_shared>>)
        tpu.yield
      }) : () -> ()
      "tpu.region"() ({
        %run_scoped3A = tpu.sem_alloc : memref<!tpu.dma_semaphore, #tpu.memory_space<semaphore_mem>>
        %dma_start3A_369 = arith.constant 0 : i32
        %dma_start3A_370 = tpu.memref_slice %arg11[%add3A_355, %dma_start3A_369] : memref<40x128xi32, #tpu.memory_space<vmem>> -> memref<1x128xi32, #tpu.memory_space<vmem>>
        %dma_start3A_371 = tpu.memref_squeeze %dma_start3A_370 : memref<1x128xi32, #tpu.memory_space<vmem>> -> memref<128xi32, #tpu.memory_space<vmem>>
        %dma_start3A_372 = arith.constant 0 : i32
        %dma_start3A_373 = tpu.memref_slice %arg15[%dma_start3A_372] : memref<10240xf32, #tpu.memory_space<vmem_shared>> -> memref<10240xf32, #tpu.memory_space<vmem_shared>>
        tpu.enqueue_indirect_dma source(%arg12 : memref<128xf32, #tpu.memory_space<vmem>>) target(%dma_start3A_373 : memref<10240xf32, #tpu.memory_space<vmem_shared>>) offsets(%dma_start3A_371 : memref<128xi32, #tpu.memory_space<vmem>>) semaphore(%run_scoped3A : memref<!tpu.dma_semaphore, #tpu.memory_space<semaphore_mem>>) {add = true}
        %dma_wait3A_374 = arith.constant 0 : i32
        %dma_wait3A_375 = tpu.memref_slice %arg11[%add3A_355, %dma_wait3A_374] : memref<40x128xi32, #tpu.memory_space<vmem>> -> memref<1x128xi32, #tpu.memory_space<vmem>>
        %dma_wait3A_376 = tpu.memref_squeeze %dma_wait3A_375 : memref<1x128xi32, #tpu.memory_space<vmem>> -> memref<128xi32, #tpu.memory_space<vmem>>
        %dma_wait3A_377 = arith.constant 0 : i32
        %dma_wait3A_378 = tpu.memref_slice %arg15[%dma_wait3A_377] : memref<10240xf32, #tpu.memory_space<vmem_shared>> -> memref<10240xf32, #tpu.memory_space<vmem_shared>>
        tpu.wait_indirect_dma semaphore(%run_scoped3A : memref<!tpu.dma_semaphore, #tpu.memory_space<semaphore_mem>>) src(%arg12 : memref<128xf32, #tpu.memory_space<vmem>>) dst(%dma_wait3A_378 : memref<10240xf32, #tpu.memory_space<vmem_shared>>)
        tpu.yield
      }) : () -> ()
      %add3A_362 = arith.constant 2 : i32
      %add3A_363 = arith.addi %add3A_355, %add3A_362 : i32
      %lt3A_364 = arith.constant 40 : i32
      %lt3A_365 = arith.cmpi slt, %add3A_363, %lt3A_364 : i32
      %convert_element_type3A_366 = arith.extui %lt3A_365 : i1 to i32
      %cond3A_367 = arith.constant 0 : i32
      %cond3A_368 = arith.cmpi ne, %convert_element_type3A_366, %cond3A_367 : i32
      scf.if %cond3A_368 {
        %add3A_369 = arith.constant 2 : i32
        %add3A_370 = arith.addi %add3A_355, %add3A_369 : i32
        %dma_start3A_371 = arith.constant 0 : i32
        %dma_start3A_372 = tpu.memref_slice %arg10[%add3A_370, %dma_start3A_371] : memref<40x128xi32, #tpu.memory_space<vmem>> -> memref<1x128xi32, #tpu.memory_space<vmem>>
        %dma_start3A_373 = tpu.memref_squeeze %dma_start3A_372 : memref<1x128xi32, #tpu.memory_space<vmem>> -> memref<128xi32, #tpu.memory_space<vmem>>
        %dma_start3A_374 = arith.constant 0 : i32
        %dma_start3A_375 = arith.constant 0 : i32
        %dma_start3A_376 = tpu.memref_slice %arg2[%dma_start3A_374, %dma_start3A_375] : memref<10000x128xf32, #tpu.memory_space<hbm>> -> memref<10000x128xf32, #tpu.memory_space<hbm>>
        tpu.enqueue_indirect_dma source(%dma_start3A_376 : memref<10000x128xf32, #tpu.memory_space<hbm>>) target(%arg9 : memref<128x128xf32, #tpu.memory_space<vmem>>) offsets(%dma_start3A_373 : memref<128xi32, #tpu.memory_space<vmem>>) semaphore(%arg17 : memref<!tpu.dma_semaphore, #tpu.memory_space<semaphore_mem>>)
      } else {
      }
    }
    %scan3A_336 = arith.constant 20 : i32
    %barrier3A_337 = arith.constant 0 : index
    tpu.barrier barrier_id(%barrier3A_337)
    "tpu.region"() ({
      %run_scoped3A = tpu.sem_alloc : memref<!tpu.dma_semaphore, #tpu.memory_space<semaphore_mem>>
      %dma_start3A_338 = arith.constant 0 : i32
      %dma_start3A_339 = tpu.memref_slice %arg6[%arg0, %mul3A_288, %dma_start3A_338] : memref<2x10240x128xf32, #tpu.memory_space<hbm>> -> memref<1x640x128xf32, #tpu.memory_space<hbm>>
      %dma_start3A_340 = tpu.memref_squeeze %dma_start3A_339 : memref<1x640x128xf32, #tpu.memory_space<hbm>> -> memref<640x128xf32, #tpu.memory_space<hbm>>
      %dma_start3A_341 = arith.constant 0 : i32
      %dma_start3A_342 = tpu.memref_slice %arg14[%mul3A_288, %dma_start3A_341] : memref<10240x128xf32, #tpu.memory_space<vmem_shared>> -> memref<640x128xf32, #tpu.memory_space<vmem_shared>>
      tpu.enqueue_dma source(%dma_start3A_342 : memref<640x128xf32, #tpu.memory_space<vmem_shared>>) target(%dma_start3A_340 : memref<640x128xf32, #tpu.memory_space<hbm>>) target_semaphore(%run_scoped3A : memref<!tpu.dma_semaphore, #tpu.memory_space<semaphore_mem>>)
      %dma_wait3A = arith.constant 0 : i32
      %dma_wait3A_343 = tpu.memref_slice %arg6[%arg0, %mul3A_288, %dma_wait3A] : memref<2x10240x128xf32, #tpu.memory_space<hbm>> -> memref<1x640x128xf32, #tpu.memory_space<hbm>>
      %dma_wait3A_344 = tpu.memref_squeeze %dma_wait3A_343 : memref<1x640x128xf32, #tpu.memory_space<hbm>> -> memref<640x128xf32, #tpu.memory_space<hbm>>
      %dma_wait3A_345 = arith.constant 0 : i32
      %dma_wait3A_346 = tpu.memref_slice %arg14[%mul3A_288, %dma_wait3A_345] : memref<10240x128xf32, #tpu.memory_space<vmem_shared>> -> memref<640x128xf32, #tpu.memory_space<vmem_shared>>
      tpu.wait_dma2 semaphore(%run_scoped3A : memref<!tpu.dma_semaphore, #tpu.memory_space<semaphore_mem>>) src(%dma_wait3A_346 : memref<640x128xf32, #tpu.memory_space<vmem_shared>>) dst(%dma_wait3A_344 : memref<640x128xf32, #tpu.memory_space<hbm>>)
      tpu.yield
    }) : () -> ()
    "tpu.region"() ({
      %run_scoped3A = tpu.sem_alloc : memref<!tpu.dma_semaphore, #tpu.memory_space<semaphore_mem>>
      %dma_start3A_338 = tpu.memref_slice %arg7[%arg0, %mul3A_288] : memref<2x10240xf32, #tpu.memory_space<hbm>> -> memref<1x640xf32, #tpu.memory_space<hbm>>
      %dma_start3A_339 = tpu.memref_squeeze %dma_start3A_338 : memref<1x640xf32, #tpu.memory_space<hbm>> -> memref<640xf32, #tpu.memory_space<hbm>>
      %dma_start3A_340 = tpu.memref_slice %arg15[%mul3A_288] : memref<10240xf32, #tpu.memory_space<vmem_shared>> -> memref<640xf32, #tpu.memory_space<vmem_shared>>
      tpu.enqueue_dma source(%dma_start3A_340 : memref<640xf32, #tpu.memory_space<vmem_shared>>) target(%dma_start3A_339 : memref<640xf32, #tpu.memory_space<hbm>>) target_semaphore(%run_scoped3A : memref<!tpu.dma_semaphore, #tpu.memory_space<semaphore_mem>>)
      %dma_wait3A = tpu.memref_slice %arg7[%arg0, %mul3A_288] : memref<2x10240xf32, #tpu.memory_space<hbm>> -> memref<1x640xf32, #tpu.memory_space<hbm>>
      %dma_wait3A_341 = tpu.memref_squeeze %dma_wait3A : memref<1x640xf32, #tpu.memory_space<hbm>> -> memref<640xf32, #tpu.memory_space<hbm>>
      %dma_wait3A_342 = tpu.memref_slice %arg15[%mul3A_288] : memref<10240xf32, #tpu.memory_space<vmem_shared>> -> memref<640xf32, #tpu.memory_space<vmem_shared>>
      tpu.wait_dma2 semaphore(%run_scoped3A : memref<!tpu.dma_semaphore, #tpu.memory_space<semaphore_mem>>) src(%dma_wait3A_342 : memref<640xf32, #tpu.memory_space<vmem_shared>>) dst(%dma_wait3A_341 : memref<640xf32, #tpu.memory_space<hbm>>)
      tpu.yield
    }) : () -> ()
    return
  }
}

module attributes {stable_mosaic.version = 14 : i64} {
  func.func @body(%arg0: i32, %arg1: memref<1000x128xf32, #tpu.memory_space<vmem>>, %arg2: memref<1000x128xf32, #tpu.memory_space<vmem>>, %arg3: memref<1000x1xf32, #tpu.memory_space<vmem>>, %arg4: memref<1000x1xf32, #tpu.memory_space<vmem>>, %arg5: memref<1000x128xf32, #tpu.memory_space<vmem>>, %arg6: memref<1000x128xf32, #tpu.memory_space<vmem>>) attributes {dimension_semantics = [#tpu.dimension_semantics<arbitrary>], iteration_bounds = array<i64: 10>, scalar_prefetch = 0 : i64, scratch_operands = 0 : i64, tpu.core_type = #tpu.core_type<tc>, window_params = [{transform_indices = @transform_0, window_bounds = array<i64: 1000, 128>}, {transform_indices = @transform_1, window_bounds = array<i64: 1000, 128>}, {transform_indices = @transform_2, window_bounds = array<i64: 1000, 1>}, {transform_indices = @transform_3, window_bounds = array<i64: 1000, 1>}, {transform_indices = @transform_4, window_bounds = array<i64: 1000, 128>}, {transform_indices = @transform_5, window_bounds = array<i64: 1000, 128>}]} {
    %get3A = arith.constant 0 : index
    %get3A_0 = arith.constant 0 : index
    %get3A_1 = vector.load %arg3[%get3A, %get3A_0] : memref<1000x1xf32, #tpu.memory_space<vmem>>, vector<1000x1xf32>
    %get3A_2 = arith.constant 0 : index
    %get3A_3 = arith.constant 0 : index
    %get3A_4 = vector.load %arg4[%get3A_2, %get3A_3] : memref<1000x1xf32, #tpu.memory_space<vmem>>, vector<1000x1xf32>
    %add3A = arith.addf %get3A_1, %get3A_4 : vector<1000x1xf32>
    %max3A = arith.constant 1.000000e+00 : f32
    %max3A_5 = vector.broadcast %max3A : f32 to vector<1000x1xf32>
    %max3A_6 = arith.maximumf %add3A, %max3A_5 : vector<1000x1xf32>
    %get3A_7 = arith.constant 0 : index
    %get3A_8 = arith.constant 0 : index
    %get3A_9 = vector.load %arg1[%get3A_7, %get3A_8] : memref<1000x128xf32, #tpu.memory_space<vmem>>, vector<1000x128xf32>
    %get3A_10 = arith.constant 0 : index
    %get3A_11 = arith.constant 0 : index
    %get3A_12 = vector.load %arg2[%get3A_10, %get3A_11] : memref<1000x128xf32, #tpu.memory_space<vmem>>, vector<1000x128xf32>
    %add3A_13 = arith.addf %get3A_9, %get3A_12 : vector<1000x128xf32>
    %div3A = vector.broadcast %max3A_6 : vector<1000x1xf32> to vector<1000x128xf32>
    %div3A_14 = arith.divf %add3A_13, %div3A : vector<1000x128xf32>
    %get3A_15 = arith.constant 0 : index
    %get3A_16 = arith.constant 0 : index
    %get3A_17 = vector.load %arg5[%get3A_15, %get3A_16] : memref<1000x128xf32, #tpu.memory_space<vmem>>, vector<1000x128xf32>
    %add3A_18 = arith.addf %div3A_14, %get3A_17 : vector<1000x128xf32>
    %max3A_19 = arith.constant 0.000000e+00 : f32
    %max3A_20 = vector.broadcast %max3A_19 : f32 to vector<1000x128xf32>
    %max3A_21 = arith.maximumf %add3A_18, %max3A_20 : vector<1000x128xf32>
    %swap3A = arith.constant 0 : index
    %swap3A_22 = arith.constant 0 : index
    %swap3A_23 = vector.load %arg6[%swap3A, %swap3A_22] : memref<1000x128xf32, #tpu.memory_space<vmem>>, vector<1000x128xf32>
    tpu.vector_store %arg6[%swap3A, %swap3A_22], %max3A_21 {strides = array<i32>} : memref<1000x128xf32, #tpu.memory_space<vmem>>, vector<1000x128xf32>,
    return
  }
  func.func @transform_0(%arg0: i32) -> (i32, i32) {
    %c0_i32 = arith.constant 0 : i32
    %c0_i32_0 = arith.constant 0 : i32
    return %arg0, %c0_i32 : i32, i32
  }
  func.func @transform_1(%arg0: i32) -> (i32, i32) {
    %c0_i32 = arith.constant 0 : i32
    %c0_i32_0 = arith.constant 0 : i32
    return %arg0, %c0_i32 : i32, i32
  }
  func.func @transform_2(%arg0: i32) -> (i32, i32) {
    %c0_i32 = arith.constant 0 : i32
    %c0_i32_0 = arith.constant 0 : i32
    return %arg0, %c0_i32 : i32, i32
  }
  func.func @transform_3(%arg0: i32) -> (i32, i32) {
    %c0_i32 = arith.constant 0 : i32
    %c0_i32_0 = arith.constant 0 : i32
    return %arg0, %c0_i32 : i32, i32
  }
  func.func @transform_4(%arg0: i32) -> (i32, i32) {
    %c0_i32 = arith.constant 0 : i32
    %c0_i32_0 = arith.constant 0 : i32
    return %arg0, %c0_i32 : i32, i32
  }
  func.func @transform_5(%arg0: i32) -> (i32, i32) {
    %c0_i32 = arith.constant 0 : i32
    %c0_i32_0 = arith.constant 0 : i32
    return %arg0, %c0_i32 : i32, i32
  }
}

</mosaic_0001>

<sc_bundles>
// kernel: kernel.4.cloned.1.call-start
scs
__scs_entry_jumppad:
0x0: {  	(pc) =	sbr.rel $0x88, $3  }
0x1: {  	(tag) =	ssettag $0x0;
	lr =	simm.s32 $0x1  }
0x2: {  	[smem:$0x3F9E] =	sst lr;
	_ =	strace $0xD0000000  }
0x3: {  	_ = 	snop  }
0x4: {  	_ = 	snop  }
0x5: {  	_ = 	snop  }
0x6: {  	_ = 	snop  }
0x7: {  	_ = 	snop  }
__scs_overlays_trampoline_lowered:
0x8: {  	[smem:$0x3FAD] =	sst s0  }
0x9: {  	[smem:$0x3FAE] =	sst s1  }
0xa: {  	[smem:$0x3FAF] =	sst s2  }
0xb: {  	[smem:$0x3FB0] =	sst s3  }
0xc: {  	[smem:$0x3FB1] =	sst s4  }
0xd: {  	[smem:$0x3FB2] =	sst s5  }
0xe: {  	[smem:$0x3FB3] =	sst s6  }
0xf: {  	[smem:$0x3FB4] =	sst s7  }
0x10: {  	[smem:$0x3FB5] =	sst s8  }
0x11: {  	[smem:$0x3FB6] =	sst s9;
	s0 =	simm.s32 @!p0 $0x0  }
0x12: {  	s1 =	sld [smem:$0x3F9C];
	s0 =	simm.s32 @p0 $0x1  }
0x13: {  	[smem:$0x3FB7] =	sst s0;
	s0 =	simm.s32 @!p1 $0x0  }
0x14: {  	s2 =	sld [smem:$0x3F9B];
	s0 =	simm.s32 @p1 $0x1  }
0x15: {  	[smem:$0x3FB8] =	sst s0;
	s0 =	simm.s32 @!p2 $0x0  }
0x16: {  	s3 =	sld [smem:$0x3FDB];
	s0 =	simm.s32 @p2 $0x1  }
0x17: {  	s4 =	simm.s32 $0x1BF5;
	[smem:$0x3FBA] =	sst s0  }
0x18: {  	s0 =	sld [smem:$0x3F9D];
	_ =	swait.ge [sflag:s4], $0x0  }
0x19: {  	s7 =	sld [smem:$0x3F9E]  }
0x1a: {  	s8 =	sadd.s32 $0xFFFFE003, lr  }
0x1b: {  	s9 =	sadd.s32 $0xFFFFFEF7, lr;
	s5 =	simm.s32 $0xFFFFFFFF;
	p2 =	slt.u32 s8, $0xFFFFF086  }
0x1c: {  	p1 =	slt.u32 s9, $0xF7A;
	s5 =	simm.s32 @!p2 $0x0  }
0x1d: {  	s5 =	simm.s32 @p1 $0x1;
	p0 =	seq.s32 s7, s2  }
0x1e: {  	s7 =	smul.u32 @!p0 $0xF7A, s2;
	p2 =	seq.s32 @!p0 s5, $0x0  }
0x1f: {  	s9 =	smul.u32 $0xF7A, s1;
	s8 =	simm.s32 @!p0 $0x1BF5;
	p2 =	por !p2, p0  }
0x20: {  	[sflag:s8] =	ssyncset.s32 @!p0 $0xFFFFF086;
	s6 =	sadd.s32 @!p0 s3, s7;
	s7 =	simm.s32 @!p0 $0x108  }
0x21: {  	s3 =	sadd.s32 s3, s9;
	s6 =	sadd.s32 @!p0 $0x88, s6;
	s7 =	simm.s32 @p2 $0x1082  }
0x22: {  	[simem:s7], [sflag:s8] =	dma.local @!p0 [hbm:s6], $0xF7A  }
0x23: {  	s9 =	sor.u32 $0xD0000000, s2;
	s6 =	simm.s32 $0x108;
	_ =	swait.ge @!p0 [sflag:s8], $0x0  }
0x24: {  	s3 =	sadd.s32 $0x88, s3;
	s6 =	simm.s32 @!p1 $0x1082;
	[sflag:s4] =	ssyncset.s32 $0xFFFFF086  }
0x25: {  	[simem:s6], [sflag:s4] =	dma.local [hbm:s3], $0xF7A  }
0x26: {  	[smem:$0x3F9E] =	sst s1;
	(tag) =	ssettag s2;
	_ =	strace s9  }
0x27: {  	s1 =	sld [smem:$0x3FAE]  }
0x28: {  	s2 =	sld [smem:$0x3FAF]  }
0x29: {  	s4 =	sld [smem:$0x3FB1]  }
0x2a: {  	p0 =	seq.s32 s5, $0x0;
	s5 =	sld [smem:$0x3FB2]  }
0x2b: {  	s6 =	sld [smem:$0x3FB3]  }
0x2c: {  	s7 =	sld [smem:$0x3FB4]  }
0x2d: {  	s3 =	simm.s32 $0x108;
	s8 =	sld [smem:$0x3FB5]  }
0x2e: {  	s3 =	simm.s32 @!p0 $0x1082;
	s9 =	sld [smem:$0x3FB6]  }
0x2f: {  	lr =	sadd.s32 s0, s3;
	s0 =	sld [smem:$0x3FAD]  }
0x30: {  	s3 =	sld [smem:$0x3FB0]  }
0x31: {  	[smem:$0x3FB9] =	sst s10  }
0x32: {  	s10 =	sld [smem:$0x3FB7];
	_ =	sdelay $0x3  }
0x33: {  	p0 =	seq.s32 s10, $0x1;
	s10 =	sld [smem:$0x3FB9];
	_ =	sdelay $0x3  }
0x34: {  	[smem:$0x3FB9] =	sst s10  }
0x35: {  	s10 =	sld [smem:$0x3FB8];
	_ =	sdelay $0x3  }
0x36: {  	p1 =	seq.s32 s10, $0x1;
	s10 =	sld [smem:$0x3FB9];
	_ =	sdelay $0x3  }
0x37: {  	[smem:$0x3FB9] =	sst s10  }
0x38: {  	s10 =	sld [smem:$0x3FBA]  }
0x39: {  	_ = 	snop;
	(pc) =	sbr.ind lr, $3  }
0x3a: {  	_ = 	snop  }
0x3b: {  	_ = 	snop  }
0x3c: {  	p2 =	seq.s32 s10, $0x1;
	s10 =	sld [smem:$0x3FB9]  }
0x3d: {  	_ =	shalt  }
0x3e: {  	_ =	shalt  }
0x3f: {  	_ =	shalt  }
0x40: {  	_ =	shalt  }
0x41: {  	_ =	shalt  }
0x42: {  	_ =	shalt  }
0x43: {  	_ =	shalt  }
0x44: {  	_ =	shalt  }
0x45: {  	_ =	shalt  }
0x46: {  	_ =	shalt  }
0x47: {  	_ =	shalt  }
0x48: {  	_ =	shalt  }
0x49: {  	_ =	shalt  }
0x4a: {  	_ =	shalt  }
0x4b: {  	_ =	shalt  }
0x4c: {  	_ =	shalt  }
0x4d: {  	_ =	shalt  }
0x4e: {  	_ =	shalt  }
0x4f: {  	_ =	shalt  }
0x50: {  	_ =	shalt  }
0x51: {  	_ =	shalt  }
0x52: {  	_ =	shalt  }
0x53: {  	_ =	shalt  }
0x54: {  	_ =	shalt  }
0x55: {  	_ =	shalt  }
0x56: {  	_ =	shalt  }
0x57: {  	_ =	shalt  }
0x58: {  	_ =	shalt  }
0x59: {  	_ =	shalt  }
0x5a: {  	_ =	shalt  }
0x5b: {  	_ =	shalt  }
0x5c: {  	_ =	shalt  }
0x5d: {  	_ =	shalt  }
0x5e: {  	_ =	shalt  }
0x5f: {  	_ =	shalt  }
0x60: {  	_ =	shalt  }
0x61: {  	_ =	shalt  }
0x62: {  	_ =	shalt  }
0x63: {  	_ =	shalt  }
0x64: {  	_ =	shalt  }
0x65: {  	_ =	shalt  }
0x66: {  	_ =	shalt  }
0x67: {  	_ =	shalt  }
0x68: {  	_ =	shalt  }
0x69: {  	_ =	shalt  }
0x6a: {  	_ =	shalt  }
0x6b: {  	_ =	shalt  }
0x6c: {  	_ =	shalt  }
0x6d: {  	_ =	shalt  }
0x6e: {  	_ =	shalt  }
0x6f: {  	_ =	shalt  }
0x70: {  	_ =	shalt  }
0x71: {  	_ =	shalt  }
0x72: {  	_ =	shalt  }
0x73: {  	_ =	shalt  }
0x74: {  	_ =	shalt  }
0x75: {  	_ =	shalt  }
0x76: {  	_ =	shalt  }
0x77: {  	_ =	shalt  }
0x78: {  	_ =	shalt  }
0x79: {  	_ =	shalt  }
0x7a: {  	_ =	shalt  }
0x7b: {  	_ =	shalt  }
0x7c: {  	_ =	shalt  }
0x7d: {  	_ =	shalt  }
0x7e: {  	_ =	shalt  }
0x7f: {  	_ =	shalt  }
0x80: {  	_ =	shalt  }
0x81: {  	_ =	shalt  }
0x82: {  	_ =	shalt  }
0x83: {  	_ =	shalt  }
0x84: {  	_ =	shalt  }
0x85: {  	_ =	shalt  }
0x86: {  	_ =	shalt  }
0x87: {  	_ =	shalt  }
.Lfunc_end0:
.L_simem_size_0:
called_computation_lowered:
.L_overlay_start_0:
0x88: {  	s2 =	sld [smem:$0x3FD9]  }
0x89: {  	s3 =	sld [smem:$0x3FFE];
	_ =	sdelay $0x1  }
0x8a: {  	s1 =	srdreg.scid  }
0x8b: {  	s0 =	sand.u32 $0x1, s1  }
0x8c: {  	s17 =	sshll.u32 s0, $0xA;
	s2 =	sadd.s32 s3, s2  }
0x8d: {  	s2 =	sadd.s32 s2, s17  }
0x8e: {  	[smem:$0x3FC5] =	sst s2  }
0x8f: {  	_ = 	snop  }
0x90: {  	s2 =	sld [smem:$0x3FC9]  }
0x91: {  	s18 =	sld [smem:$0x3FD0];
	(tm) =	ssettm $0x1  }
0x92: {  	s4 =	sld [smem:$0x3FFB];
	_ =	sdelay $0x3  }
0x93: {  	_ =	strace s4  }
0x94: {  	s4 =	sld [smem:$0x3FFC];
	_ =	sdelay $0x3  }
0x95: {  	_ =	strace s4  }
0x96: {  	s4 =	sld [smem:$0x3FFD];
	_ =	sdelay $0x3  }
0x97: {  	_ =	strace s4  }
0x98: {  	_ =	strace $0x8FFFFFFF  }
0x99: {  	s19 =	sld [smem:$0x3FDB];
	_ =	sdelay $0x1  }
0x9a: {  	s5 =	simm.s32 $_scs_section_size  }
0x9b: {  	s6 =	simm.s32 $_size__tile_overlayer_lowered;
	s7 =	simm.s32 $_tile_overlayer_lowered  }
0x9c: {  	s22 =	simm.s32 $0x1BFF;
	s21 =	sshll.u32 s7, $0x1;
	s4 =	sadd.s32 s5, s19  }
0x9d: {  	s8 =	simm.s32 $0x0;
	s20 =	sshll.u32 s6, $0x1;
	s6 =	sadd.s32 s21, s4  }
0x9e: {  	[timem:s8], [sflag:s22] =	dma.local [hbm:s6], s20  }
0x9f: {  	_ =	swait.ge [sflag:s22], s20  }
0xa0: {  	s5 =	ssub.s32 $0x0, s20;
	[sflag:s22] =	ssyncset.done $0x0  }
0xa1: {  	[sflag:s22] =	ssyncadd.s32 s5;
	_ =	sdelay $0x1  }
0xa2: {  	s23 =	simm.s32 $0x1B8B  }
0xa3: {  	_ =	swait.ge [sflag:s23], $0x1  }
0xa4: {  	[sflag:s23] =	ssyncset.done $0x0  }
0xa5: {  	s25 =	simm.s32 $0x1B8E;
	s24 =	sld [smem:$0x3FFE];
	[sflag:s23] =	ssyncadd.s32 $0xFFFFFFFF  }
0xa6: {  	s26 =	simm.s32 $execute0_lowered;
	[smem:$0x3FD2] =	sst s25  }
0xa7: {  	s6 =	sshll.u32 s26, $0x1;
	_ =	strace $0x80000046;
	[dreg:$0x1] =	wrdreg $0xFFFFFFFF  }
0xa8: {  	s28 =	simm.s32 $_size_execute0_lowered;
	s4 =	sadd.s32 s4, s6;
	[dreg:$0x0] =	wrdreg $0x0  }
0xa9: {  	s6 =	sshll.u32 s28, $0x1;
	[dreg:$0x2] =	wrdreg s4  }
0xaa: {  	[dreg:$0x3] =	wrdreg s6  }
0xab: {  	[dreg:$0x4] =	wrdreg $0xC0  }
0xac: {  	_ =	task [dreg:s8], $0x5FFFF  }
0xad: {  	[dreg:$0x1] =	wrdreg $0xFFFFFFFF  }
0xae: {  	[dreg:$0x0] =	wrdreg $0x60  }
0xaf: {  	[dreg:$0x2] =	wrdreg s2  }
0xb0: {  	[dreg:$0x3] =	wrdreg s24  }
0xb1: {  	[dreg:$0x4] =	wrdreg s18  }
0xb2: {  	[dreg:$0x5] =	wrdreg $0xAB000  }
0xb3: {  	[dreg:$0x6] =	wrdreg $0x1EB000  }
0xb4: {  	[dreg:$0x7] =	wrdreg $0x9  }
0xb5: {  	_ =	task.clear_ibuf [dreg:s8], $0x8FFFF;
	_ =	strace $0x90000046  }
0xb6: {  	s29 =	simm.s32 $0x9;
	_ =	strace $0x80000048  }
0xb7: {  	_ =	swait.ge [sflag:s29], $0x1  }
0xb8: {  	[sflag:s29] =	ssyncadd.s32 $0xFFFFFFFF  }
0xb9: {  	_ =	strace $0x90000048  }
0xba: {  	_ =	sfence  }
0xbb: {  	s30 =	sld [smem:$0x0];
	_ =	sdelay $0x2  }
0xbc: {  	s31 =	sshll.u32 s1, $0xD;
	s1 =	sshrl.u32 s1, $0x2  }
0xbd: {  	s3 =	sand.u32 $0x4000, s31;
	s1 =	sadd.s32 s1, s30  }
0xbe: {  	s0 =	sor.u32 s3, s0;
	s1 =	sshll.u32 s1, $0x11  }
0xbf: {  	s0 =	sor.u32 s1, s0  }
0xc0: {  	s0 =	sadd.s32 $0x8F2B, s0  }
0xc1: {  	[sflag:s0] =	ssyncadd.remote.s32 $0x1  }
0xc2: {  	_ =	sfence.sel $0xFFFF  }
0xc3: {  	[dreg:$0x0] =	wrdreg $0xFFFFFFFF;
	(pc) =	sbr.abs _section_cstart, $3  }
0xc4: {  	[dreg:$0x1] =	wrdreg $0xFFFFFFFF  }
0xc5: {  	_ =	task.clear_ibuf [dreg:s8], $0x2FFFF;
	_ =	strace $0x9FFFFFFF  }
0xc6: {  	(tm) =	ssettm $0x7FFFFFFF  }
0xc7: {  	_ =	shalt  }
tec
execute0_lowered:
.L_overlay_start_1:
0x0: {  	(tag) =	ssettag $0x1  }
0x1: {  	s1 =	rddreg [dreg:$0x0]  }
0x2: {  	s0 =	rddreg [dreg:$0x1]  }
0x3: {  	s2 =	rddreg [dreg:$0x2]  }
0x4: {  	s3 =	rddreg [dreg:$0x3]  }
0x5: {  	s4 =	rddreg [dreg:$0x4];
	s14 =	stileid.u32  }
0x6: {  	s6 =	srdreg.scid;
	s5 =	simm.s32 $0x0;
	s7 =	smul.u32 $0x14000, s14  }
0x7: {  	s28 =	simm.s32 $0xA700;
	s29 =	simm.s32 $0xA780;
	s16 =	smul.u32 $0x500, s14  }
0x8: {  	s31 =	simm.s32 $0x10;
	s6 =	sand.u32 $0x1, s6;
	s12 =	smul.u32 $0x50000, s14  }
0x9: {  	[smem:$0x7FF] =	sst s5;
	s11 =	sadd.s32 $0x1000, s0;
	s22 =	smul.u32 $0xA00, s14  }
0xa: {  	s24 =	sshll.u32 s14, $0x6;
	s8 =	smul.u32 $0x140000, s6;
	_ =	strace $0x80000047  }
0xb: {  	s10 =	sshll.u32 s6, $0x7;
	s18 =	ssub.s32 $0x2, s6;
	s6 =	sshll.u32 s6, $0x4  }
0xc: {  	s9 =	sshrl.u32 s7, $0x3;
	s17 =	sor.u32 s10, s16;
	s19 =	sshrl.u32 s18, $0x1  }
0xd: {  	s20 =	sor.u32 s14, s6;
	s21 =	sshrl.u32 s12, $0x2;
	s7 =	sadd.s32 s7, s8  }
0xe: {  	s9 =	sadd.s32 s9, s0;
	s15 =	ssub.s32 s18, s19;
	s23 =	smul.u32 $0x2800, s20  }
0xf: {  	s16 =	sadd.s32 s21, s3;
	s8 =	sshrl.u32 s22, $0x2;
	s25 =	smul.u32 $0x500, s20  }
0x10: {  	s19 =	simm.s32 $0x8000;
	s20 =	simm.s32 $0x9400;
	s21 =	simm.s32 $0x80  }
0x11: {  	s22 =	simm.s32 $0x8080;
	s7 =	sshrl.u32 s7, $0x3;
	s6 =	sadd.s32 $0xB000, s9  }
0x12: {  	s8 =	sadd.s32 s8, s4;
	s15 =	smax.u32 s15, $0x1;
	s16 =	sshrl.u32 s16, $0x3  }
0x13: {  	s13 =	sadd.s32 s7, s0;
	s7 =	sshrl.u32 s17, $0x3;
	s26 =	sshrl.u32 s23, $0x3  }
0x14: {  	s9 =	sadd.s32 s11, s25;
	s10 =	sadd.s32 s2, s25;
	s17 =	simm.s32 $0x3  }
0x15: {  	s23 =	simm.s32 $0x4000;
	s25 =	simm.s32 $0xA800;
	s0 =	sadd.s32 s7, s0  }
0x16: {  	s7 =	sor.u32 $0x1C03, s24;
	s30 =	sadd.s32 $0x280, s26;
	s13 =	sadd.s32 $0x33000, s13  }
0x17: {  	s24 =	simm.s32 $0x1;
	s26 =	simm.s32 $0x2;
	s11 =	sadd.s32 s11, s30  }
0x18: {  	v0 =	vimm.f32 $1.000000000e+00;
	v1 =	vimm.f32 $0.0e+00;
	s12 =	sadd.s32 s2, s30;
	s14 =	sadd.s32 $0x83000, s0;
	s0 =	simm.s32 $0x0  }
.LBB2_1:
0x19: {  	[tilespmem:$0xA800] =	vst v0  }
0x1a: {  	[tilespmem:$0xA810] =	vst v0  }
0x1b: {  	[tilespmem:$0xA820] =	vst v0  }
0x1c: {  	[tilespmem:$0xA830] =	vst v0  }
0x1d: {  	[tilespmem:$0xA840] =	vst v0  }
0x1e: {  	[tilespmem:$0xA850] =	vst v0  }
0x1f: {  	[tilespmem:$0xA860] =	vst v0  }
0x20: {  	[tilespmem:$0xA870] =	vst v0  }
0x21: {  	[tilespmem:$0xA880] =	vst v1  }
0x22: {  	[tilespmem:$0xA890] =	vst v1  }
0x23: {  	[tilespmem:$0xA8A0] =	vst v1  }
0x24: {  	[tilespmem:$0xA8B0] =	vst v1  }
0x25: {  	[tilespmem:$0xA8C0] =	vst v1  }
0x26: {  	[tilespmem:$0xA8D0] =	vst v1  }
0x27: {  	[tilespmem:$0xA8E0] =	vst v1  }
0x28: {  	[tilespmem:$0xA8F0] =	vst v1  }
0x29: {  	[tilespmem:$0xA900] =	vst v1  }
0x2a: {  	[tilespmem:$0xA910] =	vst v1  }
0x2b: {  	[tilespmem:$0xA920] =	vst v1  }
0x2c: {  	[tilespmem:$0xA930] =	vst v1  }
0x2d: {  	[tilespmem:$0xA940] =	vst v1  }
0x2e: {  	[tilespmem:$0xA950] =	vst v1  }
0x2f: {  	[tilespmem:$0xA960] =	vst v1  }
0x30: {  	[tilespmem:$0xA970] =	vst v1  }
0x31: {  	[tilespmem:$0xA980] =	vst v1  }
0x32: {  	[tilespmem:$0xA990] =	vst v1  }
0x33: {  	[tilespmem:$0xA9A0] =	vst v1  }
0x34: {  	[tilespmem:$0xA9B0] =	vst v1  }
0x35: {  	[tilespmem:$0xA9C0] =	vst v1  }
0x36: {  	[tilespmem:$0xA9D0] =	vst v1  }
0x37: {  	[tilespmem:$0xA9E0] =	vst v1  }
0x38: {  	[tilespmem:$0xA9F0] =	vst v1  }
0x39: {  	[tilespmem:$0xAA00] =	vst v1  }
0x3a: {  	[tilespmem:$0xAA10] =	vst v1  }
0x3b: {  	[tilespmem:$0xAA20] =	vst v1  }
0x3c: {  	[tilespmem:$0xAA30] =	vst v1  }
0x3d: {  	[tilespmem:$0xAA40] =	vst v1  }
0x3e: {  	[tilespmem:$0xAA50] =	vst v1  }
0x3f: {  	[tilespmem:$0xAA60] =	vst v1  }
0x40: {  	[tilespmem:$0xAA70] =	vst v1  }
0x41: {  	[tilespmem:$0xAA80] =	vst v1  }
0x42: {  	[tilespmem:$0xAA90] =	vst v1  }
0x43: {  	[tilespmem:$0xAAA0] =	vst v1  }
0x44: {  	[tilespmem:$0xAAB0] =	vst v1  }
0x45: {  	[tilespmem:$0xAAC0] =	vst v1  }
0x46: {  	[tilespmem:$0xAAD0] =	vst v1  }
0x47: {  	[tilespmem:$0xAAE0] =	vst v1  }
0x48: {  	[tilespmem:$0xAAF0] =	vst v1  }
0x49: {  	[spmem:s16], [sflag:s7] =	dma.local [hbm:s6], $0x2800  }
0x4a: {  	_ =	swait.ge [sflag:s17], $0x2800  }
0x4b: {  	[sflag:s17] =	ssyncset.done $0x0  }
0x4c: {  	s2 =	simm.s32 $0xA880;
	[sflag:s17] =	ssyncadd.s32 $0xFFFFD800  }
0x4d: {  	[spmem:s8] =	stream.linear.scatter [tilespmem:s2], [sflag:$0x3], $0x280, $0x38;
	[tilespmem:$0x1ED80] =	vst v63  }
0x4e: {  	_ =	swait.ge [sflag:s17], $0x280  }
0x4f: {  	[sflag:s17] =	ssyncset.done $0x0  }
0x50: {  	[sflag:s17] =	ssyncadd.s32 $0xFFFFFD80  }
0x51: {  	[bflag:$0x0] =	sbarrier.arrive $0xFFFF  }
0x52: {  	[tilespmem:s19], [sflag:$0x3] =	stream.linear.gather [hbm4b:s9+s5], $0x1400, $0x38;
	[tilespmem:$0x1ED80] =	vst v63  }
0x53: {  	_ =	swait.ge [sflag:s17], $0x1400  }
0x54: {  	[sflag:s17] =	ssyncset.done $0x0  }
0x55: {  	[sflag:s17] =	ssyncadd.s32 $0xFFFFEC00  }
0x56: {  	[tilespmem:s20], [sflag:$0x3] =	stream.linear.gather [hbm4b:s10+s5], $0x1400, $0x38;
	[tilespmem:$0x1ED80] =	vst v63  }
0x57: {  	_ =	swait.ge [sflag:s17], $0x1400  }
0x58: {  	[sflag:s17] =	ssyncset.done $0x0  }
0x59: {  	[sflag:s17] =	ssyncadd.s32 $0xFFFFEC00  }
0x5a: {  	[tilespmem:s5], [sflag:$0x1] =	stream.indirect.gather [hbm4b:s1+s21], $0x80, s19, s21, $0xb8;
	[tilespmem:$0x1ED80] =	vst v63  }
0x5b: {  	_ = 	snop  }
0x5c: {  	[tilespmem:s23], [sflag:$0x2] =	stream.indirect.gather [hbm4b:s1+s21], $0x80, s22, s21, $0xb8;
	[tilespmem:$0x1ED80] =	vst v63  }
0x5d: {  	_ =	swait.ge [sflag:s24], $0x4000  }
0x5e: {  	[sflag:s24] =	ssyncset.done $0x0  }
0x5f: {  	s30 =	simm.s32 $0x9400;
	[sflag:s24] =	ssyncadd.s32 $0xFFFFC000  }
0x60: {  	[spmem:s3] =	stream.indirect.scatter.add.f32 [tilespmem:s5], [sflag:$0x3], $0x80, s30, s21, $0xb8;
	[tilespmem:$0x1ED80] =	vst v63  }
0x61: {  	_ =	swait.ge [sflag:s17], $0x4000  }
0x62: {  	[sflag:s17] =	ssyncset.done $0x0  }
0x63: {  	[sflag:s17] =	ssyncadd.s32 $0xFFFFC000  }
0x64: {  	[spmem:s4] =	stream.indirect.scatter.add.f32 [tilespmem:s25], [sflag:$0x3], $0x1, s30, s21, $0xb8;
	[tilespmem:$0x1ED80] =	vst v63  }
0x65: {  	_ =	swait.ge [sflag:s17], $0x80  }
0x66: {  	[sflag:s17] =	ssyncset.done $0x0  }
0x67: {  	s18 =	simm.s32 $0x8100;
	[sflag:s17] =	ssyncadd.s32 $0xFFFFFF80  }
0x68: {  	[tilespmem:s5], [sflag:$0x1] =	stream.indirect.gather [hbm4b:s1+s21], $0x80, s18, s21, $0xb8;
	[tilespmem:$0x1ED80] =	vst v63  }
0x69: {  	_ =	swait.ge [sflag:s26], $0x4000  }
0x6a: {  	[sflag:s26] =	ssyncset.done $0x0  }
0x6b: {  	s30 =	simm.s32 $0x9480;
	[sflag:s26] =	ssyncadd.s32 $0xFFFFC000  }
0x6c: {  	[spmem:s3] =	stream.indirect.scatter.add.f32 [tilespmem:s23], [sflag:$0x3], $0x80, s30, s21, $0xb8;
	[tilespmem:$0x1ED80] =	vst v63  }
0x6d: {  	_ =	swait.ge [sflag:s17], $0x4000  }
0x6e: {  	[sflag:s17] =	ssyncset.done $0x0  }
0x6f: {  	[sflag:s17] =	ssyncadd.s32 $0xFFFFC000  }
0x70: {  	[spmem:s4] =	stream.indirect.scatter.add.f32 [tilespmem:s25], [sflag:$0x3], $0x1, s30, s21, $0xb8;
	[tilespmem:$0x1ED80] =	vst v63  }
0x71: {  	_ =	swait.ge [sflag:s17], $0x80  }
0x72: {  	[sflag:s17] =	ssyncset.done $0x0  }
0x73: {  	s2 =	simm.s32 $0x400;
	s18 =	simm.s32 $0x8180;
	[sflag:s17] =	ssyncadd.s32 $0xFFFFFF80  }
.LBB2_2:
0x74: {  	[tilespmem:s23], [sflag:$0x2] =	stream.indirect.gather [hbm4b:s1+s21], $0x80, s18, s21, $0xb8;
	[tilespmem:$0x1ED80] =	vst v63  }
0x75: {  	s18 =	smov.u32 s2  }
0x76: {  	p0 =	sne.s32 s2, $0x4800;
	s2 =	sadd.s32 $0x400, s2;
	_ =	swait.ge [sflag:s24], $0x4000  }
0x77: {  	s18 =	sshra.s32 s18, $0x2;
	[sflag:s24] =	ssyncset.done $0x0  }
0x78: {  	s30 =	sadd.s32 $0x9400, s18;
	[sflag:s24] =	ssyncadd.s32 $0xFFFFC000  }
0x79: {  	[spmem:s3] =	stream.indirect.scatter.add.f32 [tilespmem:s5], [sflag:$0x3], $0x80, s30, s21, $0xb8;
	[tilespmem:$0x1ED80] =	vst v63  }
0x7a: {  	_ =	swait.ge [sflag:s17], $0x4000  }
0x7b: {  	[sflag:s17] =	ssyncset.done $0x0  }
0x7c: {  	[sflag:s17] =	ssyncadd.s32 $0xFFFFC000  }
0x7d: {  	[spmem:s4] =	stream.indirect.scatter.add.f32 [tilespmem:s25], [sflag:$0x3], $0x1, s30, s21, $0xb8;
	[tilespmem:$0x1ED80] =	vst v63  }
0x7e: {  	_ =	swait.ge [sflag:s17], $0x80  }
0x7f: {  	[sflag:s17] =	ssyncset.done $0x0  }
0x80: {  	s30 =	sadd.s32 $0x8100, s18;
	[sflag:s17] =	ssyncadd.s32 $0xFFFFFF80  }
0x81: {  	[tilespmem:s5], [sflag:$0x1] =	stream.indirect.gather [hbm4b:s1+s21], $0x80, s30, s21, $0xb8;
	[tilespmem:$0x1ED80] =	vst v63  }
0x82: {  	_ =	swait.ge [sflag:s26], $0x4000  }
0x83: {  	[sflag:s26] =	ssyncset.done $0x0  }
0x84: {  	s30 =	sadd.s32 $0x9480, s18;
	[sflag:s26] =	ssyncadd.s32 $0xFFFFC000  }
0x85: {  	[spmem:s3] =	stream.indirect.scatter.add.f32 [tilespmem:s23], [sflag:$0x3], $0x80, s30, s21, $0xb8;
	[tilespmem:$0x1ED80] =	vst v63  }
0x86: {  	_ =	swait.ge [sflag:s17], $0x4000  }
0x87: {  	[sflag:s17] =	ssyncset.done $0x0  }
.Ltmp0:
0x88: {  	[sflag:s17] =	ssyncadd.s32 $0xFFFFC000;
	(pc) =	sbr.rel @p0 .LBB2_2-.Ltmp0, $4  }
0x89: {  	[spmem:s4] =	stream.indirect.scatter.add.f32 [tilespmem:s25], [sflag:$0x3], $0x1, s30, s21, $0xb8;
	[tilespmem:$0x1ED80] =	vst v63  }
0x8a: {  	_ =	swait.ge [sflag:s17], $0x80  }
0x8b: {  	[sflag:s17] =	ssyncset.done $0x0  }
0x8c: {  	s18 =	sadd.s32 $0x8180, s18;
	[sflag:s17] =	ssyncadd.s32 $0xFFFFFF80  }
0x8d: {  	[tilespmem:s23], [sflag:$0x2] =	stream.indirect.gather [hbm4b:s1+s21], $0x80, s18, s21, $0xb8;
	[tilespmem:$0x1ED80] =	vst v63  }
0x8e: {  	_ =	swait.ge [sflag:s24], $0x4000  }
0x8f: {  	[sflag:s24] =	ssyncset.done $0x0  }
0x90: {  	s2 =	simm.s32 $0x0;
	[sflag:s24] =	ssyncadd.s32 $0xFFFFC000  }
0x91: {  	[spmem:s3] =	stream.indirect.scatter.add.f32 [tilespmem:s2], [sflag:$0x3], $0x80, s28, s21, $0xb8;
	[tilespmem:$0x1ED80] =	vst v63  }
0x92: {  	_ =	swait.ge [sflag:s17], $0x4000  }
0x93: {  	[sflag:s17] =	ssyncset.done $0x0  }
0x94: {  	[sflag:s17] =	ssyncadd.s32 $0xFFFFC000  }
0x95: {  	[spmem:s4] =	stream.indirect.scatter.add.f32 [tilespmem:s25], [sflag:$0x3], $0x1, s28, s21, $0xb8;
	[tilespmem:$0x1ED80] =	vst v63  }
0x96: {  	_ =	swait.ge [sflag:s17], $0x80  }
0x97: {  	[sflag:s17] =	ssyncset.done $0x0  }
0x98: {  	[sflag:s17] =	ssyncadd.s32 $0xFFFFFF80  }
0x99: {  	_ =	swait.ge [sflag:s26], $0x4000  }
0x9a: {  	[sflag:s26] =	ssyncset.done $0x0  }
0x9b: {  	[sflag:s26] =	ssyncadd.s32 $0xFFFFC000  }
0x9c: {  	[spmem:s3] =	stream.indirect.scatter.add.f32 [tilespmem:s23], [sflag:$0x3], $0x80, s29, s21, $0xb8;
	[tilespmem:$0x1ED80] =	vst v63  }
0x9d: {  	_ =	swait.ge [sflag:s17], $0x4000  }
0x9e: {  	[sflag:s17] =	ssyncset.done $0x0  }
0x9f: {  	[sflag:s17] =	ssyncadd.s32 $0xFFFFC000  }
0xa0: {  	[spmem:s4] =	stream.indirect.scatter.add.f32 [tilespmem:s25], [sflag:$0x3], $0x1, s29, s21, $0xb8;
	[tilespmem:$0x1ED80] =	vst v63  }
0xa1: {  	_ =	swait.ge [sflag:s17], $0x80  }
0xa2: {  	[sflag:s17] =	ssyncset.done $0x0  }
0xa3: {  	[sflag:s17] =	ssyncadd.s32 $0xFFFFFF80  }
0xa4: {  	[tilespmem:s19], [sflag:$0x3] =	stream.linear.gather [hbm4b:s11+s2], $0x1400, $0x38;
	[tilespmem:$0x1ED80] =	vst v63  }
0xa5: {  	_ =	swait.ge [sflag:s17], $0x1400  }
0xa6: {  	[sflag:s17] =	ssyncset.done $0x0  }
0xa7: {  	[sflag:s17] =	ssyncadd.s32 $0xFFFFEC00  }
0xa8: {  	[tilespmem:s20], [sflag:$0x3] =	stream.linear.gather [hbm4b:s12+s2], $0x1400, $0x38;
	[tilespmem:$0x1ED80] =	vst v63  }
0xa9: {  	_ =	swait.ge [sflag:s17], $0x1400  }
0xaa: {  	[sflag:s17] =	ssyncset.done $0x0  }
0xab: {  	[sflag:s17] =	ssyncadd.s32 $0xFFFFEC00  }
0xac: {  	[tilespmem:s2], [sflag:$0x1] =	stream.indirect.gather [hbm4b:s1+s21], $0x80, s19, s21, $0xb8;
	[tilespmem:$0x1ED80] =	vst v63  }
0xad: {  	_ = 	snop  }
0xae: {  	[tilespmem:s23], [sflag:$0x2] =	stream.indirect.gather [hbm4b:s1+s21], $0x80, s22, s21, $0xb8;
	[tilespmem:$0x1ED80] =	vst v63  }
0xaf: {  	_ =	swait.ge [sflag:s24], $0x4000  }
0xb0: {  	[sflag:s24] =	ssyncset.done $0x0  }
0xb1: {  	s30 =	simm.s32 $0x9400;
	[sflag:s24] =	ssyncadd.s32 $0xFFFFC000  }
0xb2: {  	[spmem:s3] =	stream.indirect.scatter.add.f32 [tilespmem:s5], [sflag:$0x3], $0x80, s30, s21, $0xb8;
	[tilespmem:$0x1ED80] =	vst v63  }
0xb3: {  	_ =	swait.ge [sflag:s17], $0x4000  }
0xb4: {  	[sflag:s17] =	ssyncset.done $0x0  }
0xb5: {  	[sflag:s17] =	ssyncadd.s32 $0xFFFFC000  }
0xb6: {  	[spmem:s4] =	stream.indirect.scatter.add.f32 [tilespmem:s25], [sflag:$0x3], $0x1, s30, s21, $0xb8;
	[tilespmem:$0x1ED80] =	vst v63  }
0xb7: {  	_ =	swait.ge [sflag:s17], $0x80  }
0xb8: {  	[sflag:s17] =	ssyncset.done $0x0  }
0xb9: {  	s18 =	simm.s32 $0x8100;
	[sflag:s17] =	ssyncadd.s32 $0xFFFFFF80  }
0xba: {  	[tilespmem:s5], [sflag:$0x1] =	stream.indirect.gather [hbm4b:s1+s21], $0x80, s18, s21, $0xb8;
	[tilespmem:$0x1ED80] =	vst v63  }
0xbb: {  	_ =	swait.ge [sflag:s26], $0x4000  }
0xbc: {  	[sflag:s26] =	ssyncset.done $0x0  }
0xbd: {  	s30 =	simm.s32 $0x9480;
	[sflag:s26] =	ssyncadd.s32 $0xFFFFC000  }
0xbe: {  	[spmem:s3] =	stream.indirect.scatter.add.f32 [tilespmem:s23], [sflag:$0x3], $0x80, s30, s21, $0xb8;
	[tilespmem:$0x1ED80] =	vst v63  }
0xbf: {  	_ =	swait.ge [sflag:s17], $0x4000  }
0xc0: {  	[sflag:s17] =	ssyncset.done $0x0  }
0xc1: {  	[sflag:s17] =	ssyncadd.s32 $0xFFFFC000  }
0xc2: {  	[spmem:s4] =	stream.indirect.scatter.add.f32 [tilespmem:s25], [sflag:$0x3], $0x1, s30, s21, $0xb8;
	[tilespmem:$0x1ED80] =	vst v63  }
0xc3: {  	_ =	swait.ge [sflag:s17], $0x80  }
0xc4: {  	[sflag:s17] =	ssyncset.done $0x0  }
0xc5: {  	s2 =	simm.s32 $0x400;
	s18 =	simm.s32 $0x8180;
	[sflag:s17] =	ssyncadd.s32 $0xFFFFFF80  }
.LBB2_4:
0xc6: {  	[tilespmem:s23], [sflag:$0x2] =	stream.indirect.gather [hbm4b:s1+s21], $0x80, s18, s21, $0xb8;
	[tilespmem:$0x1ED80] =	vst v63  }
0xc7: {  	s18 =	smov.u32 s2  }
0xc8: {  	p0 =	sne.s32 s2, $0x4800;
	s2 =	sadd.s32 $0x400, s2;
	_ =	swait.ge [sflag:s24], $0x4000  }
0xc9: {  	s18 =	sshra.s32 s18, $0x2;
	[sflag:s24] =	ssyncset.done $0x0  }
0xca: {  	s30 =	sadd.s32 $0x9400, s18;
	[sflag:s24] =	ssyncadd.s32 $0xFFFFC000  }
0xcb: {  	[spmem:s3] =	stream.indirect.scatter.add.f32 [tilespmem:s5], [sflag:$0x3], $0x80, s30, s21, $0xb8;
	[tilespmem:$0x1ED80] =	vst v63  }
0xcc: {  	_ =	swait.ge [sflag:s17], $0x4000  }
0xcd: {  	[sflag:s17] =	ssyncset.done $0x0  }
0xce: {  	[sflag:s17] =	ssyncadd.s32 $0xFFFFC000  }
0xcf: {  	[spmem:s4] =	stream.indirect.scatter.add.f32 [tilespmem:s25], [sflag:$0x3], $0x1, s30, s21, $0xb8;
	[tilespmem:$0x1ED80] =	vst v63  }
0xd0: {  	_ =	swait.ge [sflag:s17], $0x80  }
0xd1: {  	[sflag:s17] =	ssyncset.done $0x0  }
0xd2: {  	s30 =	sadd.s32 $0x8100, s18;
	[sflag:s17] =	ssyncadd.s32 $0xFFFFFF80  }
0xd3: {  	[tilespmem:s5], [sflag:$0x1] =	stream.indirect.gather [hbm4b:s1+s21], $0x80, s30, s21, $0xb8;
	[tilespmem:$0x1ED80] =	vst v63  }
0xd4: {  	_ =	swait.ge [sflag:s26], $0x4000  }
0xd5: {  	[sflag:s26] =	ssyncset.done $0x0  }
0xd6: {  	s30 =	sadd.s32 $0x9480, s18;
	[sflag:s26] =	ssyncadd.s32 $0xFFFFC000  }
0xd7: {  	[spmem:s3] =	stream.indirect.scatter.add.f32 [tilespmem:s23], [sflag:$0x3], $0x80, s30, s21, $0xb8;
	[tilespmem:$0x1ED80] =	vst v63  }
0xd8: {  	_ =	swait.ge [sflag:s17], $0x4000  }
0xd9: {  	[sflag:s17] =	ssyncset.done $0x0  }
.Ltmp1:
0xda: {  	[sflag:s17] =	ssyncadd.s32 $0xFFFFC000;
	(pc) =	sbr.rel @p0 .LBB2_4-.Ltmp1, $4  }
0xdb: {  	[spmem:s4] =	stream.indirect.scatter.add.f32 [tilespmem:s25], [sflag:$0x3], $0x1, s30, s21, $0xb8;
	[tilespmem:$0x1ED80] =	vst v63  }
0xdc: {  	_ =	swait.ge [sflag:s17], $0x80  }
0xdd: {  	[sflag:s17] =	ssyncset.done $0x0  }
0xde: {  	s18 =	sadd.s32 $0x8180, s18;
	[sflag:s17] =	ssyncadd.s32 $0xFFFFFF80  }
0xdf: {  	[tilespmem:s23], [sflag:$0x2] =	stream.indirect.gather [hbm4b:s1+s21], $0x80, s18, s21, $0xb8;
	[tilespmem:$0x1ED80] =	vst v63  }
0xe0: {  	_ =	swait.ge [sflag:s24], $0x4000  }
0xe1: {  	[sflag:s24] =	ssyncset.done $0x0  }
0xe2: {  	[sflag:s24] =	ssyncadd.s32 $0xFFFFC000  }
0xe3: {  	[spmem:s3] =	stream.indirect.scatter.add.f32 [tilespmem:s5], [sflag:$0x3], $0x80, s28, s21, $0xb8;
	[tilespmem:$0x1ED80] =	vst v63  }
0xe4: {  	_ =	swait.ge [sflag:s17], $0x4000  }
0xe5: {  	[sflag:s17] =	ssyncset.done $0x0  }
0xe6: {  	[sflag:s17] =	ssyncadd.s32 $0xFFFFC000  }
0xe7: {  	[spmem:s4] =	stream.indirect.scatter.add.f32 [tilespmem:s25], [sflag:$0x3], $0x1, s28, s21, $0xb8;
	[tilespmem:$0x1ED80] =	vst v63  }
0xe8: {  	_ =	swait.ge [sflag:s17], $0x80  }
0xe9: {  	[sflag:s17] =	ssyncset.done $0x0  }
0xea: {  	[sflag:s17] =	ssyncadd.s32 $0xFFFFFF80  }
0xeb: {  	_ =	swait.ge [sflag:s26], $0x4000  }
0xec: {  	[sflag:s26] =	ssyncset.done $0x0  }
0xed: {  	[sflag:s26] =	ssyncadd.s32 $0xFFFFC000  }
0xee: {  	[spmem:s3] =	stream.indirect.scatter.add.f32 [tilespmem:s23], [sflag:$0x3], $0x80, s29, s21, $0xb8;
	[tilespmem:$0x1ED80] =	vst v63  }
0xef: {  	_ =	swait.ge [sflag:s17], $0x4000  }
0xf0: {  	[sflag:s17] =	ssyncset.done $0x0  }
0xf1: {  	[sflag:s17] =	ssyncadd.s32 $0xFFFFC000  }
0xf2: {  	[spmem:s4] =	stream.indirect.scatter.add.f32 [tilespmem:s25], [sflag:$0x3], $0x1, s29, s21, $0xb8;
	[tilespmem:$0x1ED80] =	vst v63  }
0xf3: {  	_ =	swait.ge [sflag:s17], $0x80  }
0xf4: {  	[sflag:s17] =	ssyncset.done $0x0  }
0xf5: {  	[sflag:s17] =	ssyncadd.s32 $0xFFFFFF80  }
0xf6: {  	[bflag:$0x0] =	sbarrier.arrive $0xFFFF  }
0xf7: {  	[hbm:s13], [sflag:s7] =	dma.local [spmem:s16], $0x2800  }
0xf8: {  	s0 =	sadd.s32 $0x1, s0;
	_ =	swait.ge [sflag:s17], $0x2800  }
0xf9: {  	s2 =	sshrl.u32 s8, $0x3;
	p0 =	sne.s32 s0, s15;
	[sflag:s17] =	ssyncset.done $0x0  }
.Ltmp2:
0xfa: {  	s30 =	simm.s32 $0x20;
	[sflag:s17] =	ssyncadd.s32 $0xFFFFD800;
	(pc) =	sbr.rel @p0 .LBB2_1-.Ltmp2, $4  }
0xfb: {  	[hbm:s14@s30], [sflag:s7] =	dma.strided [spmem:s2@s31], $0x50, s24, $0x10   }
0xfc: {  	_ =	swait.ge [sflag:s17], $0x50  }
0xfd: {  	[sflag:s17] =	ssyncset.done $0x0  }
0xfe: {  	[sflag:s17] =	ssyncadd.s32 $0xFFFFFFB0  }
0xff: {  	_ =	sfence.sel $0x180000  }
0x100: {  	[bflag:$0x0] =	sbarrier.arrive $0xFFFF  }
0x101: {  	_ =	strace $0x90000047  }
0x102: {  	s0 =	stileid.u32;
	[bflag:$0x2] =	sbarrier.arrive $0xFFFF  }
0x103: {  	p0 =	sne.s32 s0, $0x0;
	s0 =	rddreg [dreg:$0x5]  }
0x104: {  	s0 =	sadd.s32 @!p0 $0x100000, s0  }
0x105: {  	[sflag:s0] =	ssyncadd.tile.s32 @!p0 $0x1;
	_ =	shalt  }
.Lfunc_end2:
_tile_overlayer_lowered:
.L_overlay_start_2:
0x106: {  	(tag) =	ssettag $0x2  }
0x107: {  	s0 =	rddreg [dreg:$0x0];
	s2 =	stileid.u32  }
0x108: {  	s1 =	rddreg [dreg:$0x1];
	p0 =	sne.s32 s2, $0x0  }
0x109: {  	s3 =	rddreg [dreg:$0x2];
	[bflag:$0x3] =	sbarrier.arrive $0xFFFF;
	s2 =	simm.s32 @!p0 $0x1C03  }
0x10a: {  	[timem:s3], [sflag:s2] =	dma.local @!p0 [hbm:s0], s1  }
0x10b: {  	s0 =	simm.s32 @!p0 $0x3  }
0x10c: {  	_ =	swait.ge @!p0 [sflag:s0], s1  }
0x10d: {  	s1 =	ssub.s32 @!p0 $0x0, s1;
	[sflag:s0] =	ssyncset.done @!p0 $0x0  }
0x10e: {  	[sflag:s0] =	ssyncadd.s32 @!p0 s1  }
0x10f: {  	[bflag:$0x3] =	sbarrier.arrive $0xFFFF  }
0x110: {  	_ =	shalt  }

</sc_bundles>
